<compile_context>
chip_gen: v7x
topology: tpu7x:2x2x1
jax: 0.10.2.dev20260603
libtpu: 0.0.44.dev20260713+nightly
codegen_flags: <defaults>
</compile_context>

<pallas_src>
import functools

import jax
import jax.numpy as jnp
from jax import lax
from jax.experimental import pallas as pl
from jax.experimental.pallas import tpu as pltpu
from jax.experimental.pallas import tpu_sc as plsc

_MAXR = 128
_ROWS = 2 * _MAXR + 1
_D = 1024
_B = 32 * 2048
_NC, _NS = 2, 16
_NW = _NC * _NS
_NG = 8
_ND = 4
_DCOL = _D // _ND
_KPR = _DCOL // 16
_RPG = _B // _NG
_RC = 64
_NBUF = 2
_LANES = 16


def _emb_body(idx_hbm, table_hbm, out_hbm, ttile, bufs, idx_v, *sems):
    tsem = sems[0]
    wsem = sems[1:]
    wid = lax.axis_index("s") * _NC + lax.axis_index("c")
    g = wid // _ND
    j = wid % _ND
    rbase = g * _RPG
    cbase = j * _DCOL

    isem = wsem[0]
    pltpu.async_copy(idx_hbm.at[pl.ds(rbase, _RPG)], idx_v, isem)

    def tload_start(v, carry):
        pltpu.async_copy(
            table_hbm.at[pl.ds(v * _D + cbase, _DCOL)],
            ttile.at[pl.ds(v * _DCOL, _DCOL)],
            tsem,
        )
        return carry

    lax.fori_loop(0, _ROWS, tload_start, 0)

    pltpu.make_async_copy(idx_hbm.at[pl.ds(rbase, _RPG)], idx_v, isem).wait()

    def clamp_body(i, carry):
        sl = pl.ds(i * _LANES, _LANES)
        v = idx_v[sl]
        idx_v[sl] = (
            jnp.minimum(jnp.maximum(v, -_MAXR), _MAXR) + _MAXR
        ) * _DCOL
        return carry

    lax.fori_loop(0, _RPG // _LANES, clamp_body, 0)

    def tload_wait(v, carry):
        pltpu.make_async_copy(
            table_hbm.at[pl.ds(v * _D + cbase, _DCOL)],
            ttile.at[pl.ds(v * _DCOL, _DCOL)],
            tsem,
        ).wait()
        return carry

    lax.fori_loop(0, _ROWS, tload_wait, 0)

    colvec = [lax.iota(jnp.int32, _LANES) + k * _LANES for k in range(_KPR)]
    _NCHW = _RPG // _RC
    _BLK = _RC // _LANES

    def outer_body(o, carry):
        for w in range(_NBUF):
            n = o * _NBUF + w
            row0 = rbase + n * _RC

            @pl.when(o > 0)
            def _wait_prev():
                pltpu.make_async_copy(
                    bufs.at[w],
                    out_hbm.at[pl.ds(row0 - _NBUF * _RC, _RC), pl.ds(cbase, _DCOL)],
                    wsem[w],
                ).wait()

            @plsc.parallel_loop(0, _RC, 1, unroll=4)
            def _rows(r):
                blk = r & ~(_LANES - 1)
                lane = r & (_LANES - 1)
                v16 = idx_v[pl.ds(n * _RC + blk, _LANES)]
                base = v16.at[jnp.full((_LANES,), lane, jnp.int32)].get(
                    mode="promise_in_bounds"
                )
                for k in range(_KPR):
                    val = plsc.load_gather(ttile, [base + colvec[k]])
                    bufs[w, r, pl.ds(k * _LANES, _LANES)] = val

            pltpu.async_copy(
                bufs.at[w],
                out_hbm.at[pl.ds(row0, _RC), pl.ds(cbase, _DCOL)],
                wsem[w],
            )
        return carry

    lax.fori_loop(0, _NCHW // _NBUF, outer_body, 0)

    for w in range(_NBUF):
        row0 = rbase + ((_NCHW // _NBUF - 1) * _NBUF + w) * _RC
        pltpu.make_async_copy(
            bufs.at[w],
            out_hbm.at[pl.ds(row0, _RC), pl.ds(cbase, _DCOL)],
            wsem[w],
        ).wait()


@jax.jit
def _emb_call(idx_flat, table_flat):
    mesh = plsc.VectorSubcoreMesh(core_axis_name="c", subcore_axis_name="s")
    fn = functools.partial(
        pl.kernel,
        mesh=mesh,
        compiler_params=pltpu.CompilerParams(needs_layout_passes=False),
        out_type=jax.ShapeDtypeStruct((_B, _D), jnp.float32),
        scratch_types=[
            pltpu.VMEM((_ROWS * _DCOL,), jnp.float32),
            pltpu.VMEM((_NBUF, _RC, _DCOL), jnp.float32),
            pltpu.VMEM((_RPG,), jnp.int32),
        ]
        + [pltpu.SemaphoreType.DMA] * (1 + _NBUF),
    )(_emb_body)
    return fn(idx_flat, table_flat)


def kernel(relative_dis, W):
    idx_flat = relative_dis.reshape(-1).astype(jnp.int32)
    out = _emb_call(idx_flat, W.reshape(-1))
    return out.reshape(relative_dis.shape + (_D,))

# --- scband reference (transcript-rebuilt; emitter-appended) ---
"""Pipeline reference for scband-relative-position-embedding-25031069401442 (READ-ONLY COPY).

The authoritative reference and input builder live on the scoring server;
editing this copy changes nothing except your own understanding.
"""

import jax, jax.numpy as jnp
import numpy as np
import math

MAX_REL = 128
D_MODEL = 1024

def setup_inputs(seed: int = 0) -> dict:
    key = jax.random.key(seed)
    k1, k2 = jax.random.split(key)
    relative_dis = jax.random.randint(k1, (32, 2048), 0, 256, dtype=jnp.int64)
    stdv = 1.0 / np.sqrt(D_MODEL)
    bound = math.sqrt(3) * stdv
    W = jax.random.uniform(k2, (2 * MAX_REL + 1, D_MODEL), dtype=jnp.float32, minval=-bound, maxval=bound)
    return {"relative_dis": relative_dis, "W": W}

def reference(relative_dis, W):
    # clamp to [-max_relative_len, max_relative_len], shift, then embedding gather
    rd = jnp.clip(relative_dis, -MAX_REL, MAX_REL)
    idx = rd + MAX_REL
    pe = jnp.take(W, idx, axis=0)
    return pe

if __name__ == "__main__":
    import jax
    _d = setup_inputs()
    print(jax.jit(kernel)(*tuple(_d.values())))

</pallas_src>

<mosaic_0001>
#map = affine_map<(d0, d1) -> (0)>
#map1 = affine_map<(d0, d1) -> (0, 0)>
module attributes {stable_mosaic.version = 14 : i64} {
  func.func @_emb_body(%arg0: i32, %arg1: i32, %arg2: memref<65536xi32, #tpu.memory_space<hbm>>, %arg3: memref<263168xf32, #tpu.memory_space<hbm>>, %arg4: memref<65536x1024xf32, #tpu.memory_space<hbm>>, %arg5: memref<65792xf32, #tpu.memory_space<vmem>>, %arg6: memref<2x64x256xf32, #tpu.memory_space<vmem>>, %arg7: memref<8192xi32, #tpu.memory_space<vmem>>, %arg8: memref<!tpu.dma_semaphore, #tpu.memory_space<semaphore_mem>>, %arg9: memref<!tpu.dma_semaphore, #tpu.memory_space<semaphore_mem>>, %arg10: memref<!tpu.dma_semaphore, #tpu.memory_space<semaphore_mem>>) attributes {dimension_semantics = [#tpu.dimension_semantics<core_parallel>, #tpu.dimension_semantics<subcore_parallel>], iteration_bounds = array<i64: 2, 16>, scalar_prefetch = 0 : i64, scratch_operands = 6 : i64, tpu.core_type = #tpu.core_type<sc_vector_subcore>, window_params = [{transform_indices = #map}, {transform_indices = #map}, {transform_indices = #map1}]} {
    %mul3A = arith.constant 2 : i32
    %mul3A_0 = arith.muli %arg1, %mul3A : i32
    %add3A = arith.addi %mul3A_0, %arg0 : i32
    %jit3A = arith.constant 4 : i32
    %div3A = arith.divsi %add3A, %jit3A : i32
    %sign3A = arith.constant 0 : i32
    %sign3A_1 = arith.cmpi sgt, %add3A, %sign3A : i32
    %sign3A_2 = arith.extui %sign3A_1 : i1 to i32
    %sign3A_3 = arith.constant 0 : i32
    %sign3A_4 = arith.cmpi slt, %add3A, %sign3A_3 : i32
    %sign3A_5 = arith.extui %sign3A_4 : i1 to i32
    %sign3A_6 = arith.subi %sign3A_2, %sign3A_5 : i32
    %sign3A_7 = arith.constant 0 : i32
    %sign3A_8 = arith.cmpi sgt, %jit3A, %sign3A_7 : i32
    %sign3A_9 = arith.extui %sign3A_8 : i1 to i32
    %sign3A_10 = arith.constant 0 : i32
    %sign3A_11 = arith.cmpi slt, %jit3A, %sign3A_10 : i32
    %sign3A_12 = arith.extui %sign3A_11 : i1 to i32
    %sign3A_13 = arith.subi %sign3A_9, %sign3A_12 : i32
    %ne3A = arith.cmpi ne, %sign3A_6, %sign3A_13 : i32
    %rem3A = arith.remsi %add3A, %jit3A : i32
    %ne3A_14 = arith.constant 0 : i32
    %ne3A_15 = arith.cmpi ne, %rem3A, %ne3A_14 : i32
    %and3A = arith.andi %ne3A, %ne3A_15 : i1
    %sub3A = arith.constant 1 : i32
    %sub3A_16 = arith.subi %div3A, %sub3A : i32
    %select_n3A = arith.select %and3A, %sub3A_16, %div3A : i32
    %jit3A_17 = arith.constant 4 : i32
    %eq3A = arith.constant 0 : i32
    %eq3A_18 = arith.cmpi eq, %jit3A_17, %eq3A : i32
    %jit3A_19 = arith.constant 1 : i32
    %select_n3A_20 = arith.select %eq3A_18, %jit3A_19, %jit3A_17 : i32
    %rem3A_21 = arith.remsi %add3A, %select_n3A_20 : i32
    %ne3A_22 = arith.constant 0 : i32
    %ne3A_23 = arith.cmpi ne, %rem3A_21, %ne3A_22 : i32
    %lt3A = arith.constant 0 : i32
    %lt3A_24 = arith.cmpi slt, %rem3A_21, %lt3A : i32
    %lt3A_25 = arith.constant 0 : i32
    %lt3A_26 = arith.cmpi slt, %select_n3A_20, %lt3A_25 : i32
    %ne3A_27 = arith.xori %lt3A_24, %lt3A_26 : i1
    %and3A_28 = arith.andi %ne3A_27, %ne3A_23 : i1
    %add3A_29 = arith.addi %rem3A_21, %select_n3A_20 : i32
    %select_n3A_30 = arith.select %and3A_28, %add3A_29, %rem3A_21 : i32
    %mul3A_31 = arith.constant 8192 : i32
    %mul3A_32 = arith.muli %select_n3A, %mul3A_31 : i32
    %mul3A_33 = arith.constant 256 : i32
    %mul3A_34 = arith.muli %select_n3A_30, %mul3A_33 : i32
    %dma_start3A = tpu.memref_slice %arg2[%mul3A_32] : memref<65536xi32, #tpu.memory_space<hbm>> -> memref<8192xi32, #tpu.memory_space<hbm>>
    %dma_start3A_35 = tpu.memref_slice %arg2[%mul3A_32] : memref<65536xi32, #tpu.memory_space<hbm>> -> memref<8192xi32, #tpu.memory_space<hbm>>
    tpu.enqueue_dma source(%dma_start3A_35 : memref<8192xi32, #tpu.memory_space<hbm>>) target(%arg7 : memref<8192xi32, #tpu.memory_space<vmem>>) target_semaphore(%arg9 : memref<!tpu.dma_semaphore, #tpu.memory_space<semaphore_mem>>)
    %scan3A = arith.constant 0 : i32
    %scan3A_36 = arith.constant 0 : i32
    %scan3A_37 = arith.constant 257 : i32
    %scan3A_38 = arith.addi %scan3A_36, %scan3A_37 : i32
    %scan3A_39 = arith.constant 1 : i32
    scf.for %scan3A_149 = %scan3A_36 to %scan3A_38 step %scan3A_39  : i32 {
      %mul3A_150 = arith.constant 1024 : i32
      %mul3A_151 = arith.muli %scan3A_149, %mul3A_150 : i32
      %add3A_152 = arith.addi %mul3A_151, %mul3A_34 : i32
      %mul3A_153 = arith.constant 256 : i32
      %mul3A_154 = arith.muli %scan3A_149, %mul3A_153 : i32
      %dma_start3A_155 = tpu.memref_slice %arg5[%mul3A_154] : memref<65792xf32, #tpu.memory_space<vmem>> -> memref<256xf32, #tpu.memory_space<vmem>>
      %dma_start3A_156 = tpu.memref_slice %arg3[%add3A_152] : memref<263168xf32, #tpu.memory_space<hbm>> -> memref<256xf32, #tpu.memory_space<hbm>>
      %dma_start3A_157 = tpu.memref_slice %arg5[%mul3A_154] : memref<65792xf32, #tpu.memory_space<vmem>> -> memref<256xf32, #tpu.memory_space<vmem>>
      %dma_start3A_158 = tpu.memref_slice %arg3[%add3A_152] : memref<263168xf32, #tpu.memory_space<hbm>> -> memref<256xf32, #tpu.memory_space<hbm>>
      tpu.enqueue_dma source(%dma_start3A_158 : memref<256xf32, #tpu.memory_space<hbm>>) target(%dma_start3A_157 : memref<256xf32, #tpu.memory_space<vmem>>) target_semaphore(%arg8 : memref<!tpu.dma_semaphore, #tpu.memory_space<semaphore_mem>>)
    }
    %scan3A_40 = arith.constant 257 : i32
    %dma_wait3A = tpu.memref_slice %arg2[%mul3A_32] : memref<65536xi32, #tpu.memory_space<hbm>> -> memref<8192xi32, #tpu.memory_space<hbm>>
    %dma_wait3A_41 = tpu.memref_slice %arg2[%mul3A_32] : memref<65536xi32, #tpu.memory_space<hbm>> -> memref<8192xi32, #tpu.memory_space<hbm>>
    tpu.wait_dma2 semaphore(%arg9 : memref<!tpu.dma_semaphore, #tpu.memory_space<semaphore_mem>>) src(%dma_wait3A_41 : memref<8192xi32, #tpu.memory_space<hbm>>) dst(%arg7 : memref<8192xi32, #tpu.memory_space<vmem>>)
    %scan3A_42 = arith.constant 0 : i32
    %scan3A_43 = arith.constant 0 : i32
    %scan3A_44 = arith.constant 512 : i32
    %scan3A_45 = arith.addi %scan3A_43, %scan3A_44 : i32
    %scan3A_46 = arith.constant 1 : i32
    scf.for %scan3A_149 = %scan3A_43 to %scan3A_45 step %scan3A_46  : i32 {
      %mul3A_150 = arith.constant 16 : i32
      %mul3A_151 = arith.muli %scan3A_149, %mul3A_150 : i32
      %get3A = arith.index_cast %mul3A_151 : i32 to index
      %get3A_152 = tpu.vector_load %arg7[%get3A] {strides = array<i32>} : memref<8192xi32, #tpu.memory_space<vmem>>, vector<16xi32>,
      %max3A = arith.constant -128 : i32
      %max3A_153 = vector.broadcast %max3A : i32 to vector<16xi32>
      %max3A_154 = arith.maxsi %get3A_152, %max3A_153 : vector<16xi32>
      %min3A = arith.constant 128 : i32
      %min3A_155 = vector.broadcast %min3A : i32 to vector<16xi32>
      %min3A_156 = arith.minsi %max3A_154, %min3A_155 : vector<16xi32>
      %add3A_157 = arith.constant 128 : i32
      %add3A_158 = vector.broadcast %add3A_157 : i32 to vector<16xi32>
      %add3A_159 = arith.addi %min3A_156, %add3A_158 : vector<16xi32>
      %mul3A_160 = arith.constant 256 : i32
      %mul3A_161 = vector.broadcast %mul3A_160 : i32 to vector<16xi32>
      %mul3A_162 = arith.muli %add3A_159, %mul3A_161 : vector<16xi32>
      %swap3A = arith.index_cast %mul3A_151 : i32 to index
      %swap3A_163 = tpu.vector_load %arg7[%swap3A] {strides = array<i32>} : memref<8192xi32, #tpu.memory_space<vmem>>, vector<16xi32>,
      tpu.vector_store %arg7[%swap3A], %mul3A_162 {strides = array<i32>} : memref<8192xi32, #tpu.memory_space<vmem>>, vector<16xi32>,
    }
    %scan3A_47 = arith.constant 512 : i32
    %scan3A_48 = arith.constant 0 : i32
    %scan3A_49 = arith.constant 0 : i32
    %scan3A_50 = arith.constant 257 : i32
    %scan3A_51 = arith.addi %scan3A_49, %scan3A_50 : i32
    %scan3A_52 = arith.constant 1 : i32
    scf.for %scan3A_149 = %scan3A_49 to %scan3A_51 step %scan3A_52  : i32 {
      %mul3A_150 = arith.constant 1024 : i32
      %mul3A_151 = arith.muli %scan3A_149, %mul3A_150 : i32
      %add3A_152 = arith.addi %mul3A_151, %mul3A_34 : i32
      %mul3A_153 = arith.constant 256 : i32
      %mul3A_154 = arith.muli %scan3A_149, %mul3A_153 : i32
      %dma_wait3A_155 = tpu.memref_slice %arg5[%mul3A_154] : memref<65792xf32, #tpu.memory_space<vmem>> -> memref<256xf32, #tpu.memory_space<vmem>>
      %dma_wait3A_156 = tpu.memref_slice %arg3[%add3A_152] : memref<263168xf32, #tpu.memory_space<hbm>> -> memref<256xf32, #tpu.memory_space<hbm>>
      %dma_wait3A_157 = tpu.memref_slice %arg5[%mul3A_154] : memref<65792xf32, #tpu.memory_space<vmem>> -> memref<256xf32, #tpu.memory_space<vmem>>
      %dma_wait3A_158 = tpu.memref_slice %arg3[%add3A_152] : memref<263168xf32, #tpu.memory_space<hbm>> -> memref<256xf32, #tpu.memory_space<hbm>>
      tpu.wait_dma2 semaphore(%arg8 : memref<!tpu.dma_semaphore, #tpu.memory_space<semaphore_mem>>) src(%dma_wait3A_158 : memref<256xf32, #tpu.memory_space<hbm>>) dst(%dma_wait3A_157 : memref<256xf32, #tpu.memory_space<vmem>>)
    }
    %scan3A_53 = arith.constant 257 : i32
    %iota3A = tpu.iota {dimensions = array<i32: 0>} : vector<16xi32>
    %add3A_54 = arith.constant 0 : i32
    %add3A_55 = vector.broadcast %add3A_54 : i32 to vector<16xi32>
    %add3A_56 = arith.addi %iota3A, %add3A_55 : vector<16xi32>
    %iota3A_57 = tpu.iota {dimensions = array<i32: 0>} : vector<16xi32>
    %add3A_58 = arith.constant 16 : i32
    %add3A_59 = vector.broadcast %add3A_58 : i32 to vector<16xi32>
    %add3A_60 = arith.addi %iota3A_57, %add3A_59 : vector<16xi32>
    %iota3A_61 = tpu.iota {dimensions = array<i32: 0>} : vector<16xi32>
    %add3A_62 = arith.constant 32 : i32
    %add3A_63 = vector.broadcast %add3A_62 : i32 to vector<16xi32>
    %add3A_64 = arith.addi %iota3A_61, %add3A_63 : vector<16xi32>
    %iota3A_65 = tpu.iota {dimensions = array<i32: 0>} : vector<16xi32>
    %add3A_66 = arith.constant 48 : i32
    %add3A_67 = vector.broadcast %add3A_66 : i32 to vector<16xi32>
    %add3A_68 = arith.addi %iota3A_65, %add3A_67 : vector<16xi32>
    %iota3A_69 = tpu.iota {dimensions = array<i32: 0>} : vector<16xi32>
    %add3A_70 = arith.constant 64 : i32
    %add3A_71 = vector.broadcast %add3A_70 : i32 to vector<16xi32>
    %add3A_72 = arith.addi %iota3A_69, %add3A_71 : vector<16xi32>
    %iota3A_73 = tpu.iota {dimensions = array<i32: 0>} : vector<16xi32>
    %add3A_74 = arith.constant 80 : i32
    %add3A_75 = vector.broadcast %add3A_74 : i32 to vector<16xi32>
    %add3A_76 = arith.addi %iota3A_73, %add3A_75 : vector<16xi32>
    %iota3A_77 = tpu.iota {dimensions = array<i32: 0>} : vector<16xi32>
    %add3A_78 = arith.constant 96 : i32
    %add3A_79 = vector.broadcast %add3A_78 : i32 to vector<16xi32>
    %add3A_80 = arith.addi %iota3A_77, %add3A_79 : vector<16xi32>
    %iota3A_81 = tpu.iota {dimensions = array<i32: 0>} : vector<16xi32>
    %add3A_82 = arith.constant 112 : i32
    %add3A_83 = vector.broadcast %add3A_82 : i32 to vector<16xi32>
    %add3A_84 = arith.addi %iota3A_81, %add3A_83 : vector<16xi32>
    %iota3A_85 = tpu.iota {dimensions = array<i32: 0>} : vector<16xi32>
    %add3A_86 = arith.constant 128 : i32
    %add3A_87 = vector.broadcast %add3A_86 : i32 to vector<16xi32>
    %add3A_88 = arith.addi %iota3A_85, %add3A_87 : vector<16xi32>
    %iota3A_89 = tpu.iota {dimensions = array<i32: 0>} : vector<16xi32>
    %add3A_90 = arith.constant 144 : i32
    %add3A_91 = vector.broadcast %add3A_90 : i32 to vector<16xi32>
    %add3A_92 = arith.addi %iota3A_89, %add3A_91 : vector<16xi32>
    %iota3A_93 = tpu.iota {dimensions = array<i32: 0>} : vector<16xi32>
    %add3A_94 = arith.constant 160 : i32
    %add3A_95 = vector.broadcast %add3A_94 : i32 to vector<16xi32>
    %add3A_96 = arith.addi %iota3A_93, %add3A_95 : vector<16xi32>
    %iota3A_97 = tpu.iota {dimensions = array<i32: 0>} : vector<16xi32>
    %add3A_98 = arith.constant 176 : i32
    %add3A_99 = vector.broadcast %add3A_98 : i32 to vector<16xi32>
    %add3A_100 = arith.addi %iota3A_97, %add3A_99 : vector<16xi32>
    %iota3A_101 = tpu.iota {dimensions = array<i32: 0>} : vector<16xi32>
    %add3A_102 = arith.constant 192 : i32
    %add3A_103 = vector.broadcast %add3A_102 : i32 to vector<16xi32>
    %add3A_104 = arith.addi %iota3A_101, %add3A_103 : vector<16xi32>
    %iota3A_105 = tpu.iota {dimensions = array<i32: 0>} : vector<16xi32>
    %add3A_106 = arith.constant 208 : i32
    %add3A_107 = vector.broadcast %add3A_106 : i32 to vector<16xi32>
    %add3A_108 = arith.addi %iota3A_105, %add3A_107 : vector<16xi32>
    %iota3A_109 = tpu.iota {dimensions = array<i32: 0>} : vector<16xi32>
    %add3A_110 = arith.constant 224 : i32
    %add3A_111 = vector.broadcast %add3A_110 : i32 to vector<16xi32>
    %add3A_112 = arith.addi %iota3A_109, %add3A_111 : vector<16xi32>
    %iota3A_113 = tpu.iota {dimensions = array<i32: 0>} : vector<16xi32>
    %add3A_114 = arith.constant 240 : i32
    %add3A_115 = vector.broadcast %add3A_114 : i32 to vector<16xi32>
    %add3A_116 = arith.addi %iota3A_113, %add3A_115 : vector<16xi32>
    %scan3A_117 = arith.constant 0 : i32
    %scan3A_118 = arith.constant 0 : i32
    %scan3A_119 = arith.constant 64 : i32
    %scan3A_120 = arith.addi %scan3A_118, %scan3A_119 : i32
    %scan3A_121 = arith.constant 1 : i32
    scf.for %scan3A_149 = %scan3A_118 to %scan3A_120 step %scan3A_121  : i32 {
      %mul3A_150 = arith.constant 2 : i32
      %mul3A_151 = arith.muli %scan3A_149, %mul3A_150 : i32
      %add3A_152 = arith.constant 0 : i32
      %add3A_153 = arith.addi %mul3A_151, %add3A_152 : i32
      %mul3A_154 = arith.constant 64 : i32
      %mul3A_155 = arith.muli %add3A_153, %mul3A_154 : i32
      %add3A_156 = arith.addi %mul3A_32, %mul3A_155 : i32
      %gt3A = arith.constant 0 : i32
      %gt3A_157 = arith.cmpi sgt, %scan3A_149, %gt3A : i32
      %convert_element_type3A = arith.extui %gt3A_157 : i1 to i32
      %cond3A = arith.constant 0 : i32
      %cond3A_158 = arith.cmpi ne, %convert_element_type3A, %cond3A : i32
      scf.if %cond3A_158 {
        %sub3A_198 = arith.constant 128 : i32
        %sub3A_199 = arith.subi %add3A_156, %sub3A_198 : i32
        %dma_wait3A_200 = arith.constant 0 : i32
        %dma_wait3A_201 = arith.constant 0 : i32
        %dma_wait3A_202 = arith.constant 0 : i32
        %dma_wait3A_203 = tpu.memref_slice %arg6[%dma_wait3A_200, %dma_wait3A_201, %dma_wait3A_202] : memref<2x64x256xf32, #tpu.memory_space<vmem>> -> memref<1x64x256xf32, #tpu.memory_space<vmem>>
        %dma_wait3A_204 = tpu.memref_squeeze %dma_wait3A_203 : memref<1x64x256xf32, #tpu.memory_space<vmem>> -> memref<64x256xf32, #tpu.memory_space<vmem>>
        %dma_wait3A_205 = tpu.memref_slice %arg4[%sub3A_199, %mul3A_34] : memref<65536x1024xf32, #tpu.memory_space<hbm>> -> memref<64x256xf32, #tpu.memory_space<hbm>>
        %dma_wait3A_206 = tpu.memref_slice %arg4[%sub3A_199, %mul3A_34] : memref<65536x1024xf32, #tpu.memory_space<hbm>> -> memref<64x256xf32, #tpu.memory_space<hbm>>
        %dma_wait3A_207 = arith.constant 0 : i32
        %dma_wait3A_208 = arith.constant 0 : i32
        %dma_wait3A_209 = tpu.memref_slice %arg6[%dma_wait3A_200, %dma_wait3A_207, %dma_wait3A_208] : memref<2x64x256xf32, #tpu.memory_space<vmem>> -> memref<1x64x256xf32, #tpu.memory_space<vmem>>
        %dma_wait3A_210 = tpu.memref_squeeze %dma_wait3A_209 : memref<1x64x256xf32, #tpu.memory_space<vmem>> -> memref<64x256xf32, #tpu.memory_space<vmem>>
        tpu.wait_dma2 semaphore(%arg9 : memref<!tpu.dma_semaphore, #tpu.memory_space<semaphore_mem>>) src(%dma_wait3A_210 : memref<64x256xf32, #tpu.memory_space<vmem>>) dst(%dma_wait3A_206 : memref<64x256xf32, #tpu.memory_space<hbm>>)
      } else {
      }
      %parallel_loop3A = arith.constant 0 : i32
      %parallel_loop3A_159 = arith.constant 64 : i32
      %parallel_loop3A_160 = arith.constant 1 : i32
      scf.for %parallel_loop3A_198 = %parallel_loop3A to %parallel_loop3A_159 step %parallel_loop3A_160  : i32 {
        %parallel_loop3A_199 = arith.constant -16 : i32
        %parallel_loop3A_200 = arith.andi %parallel_loop3A_198, %parallel_loop3A_199 : i32
        %parallel_loop3A_201 = arith.constant 15 : i32
        %parallel_loop3A_202 = arith.andi %parallel_loop3A_198, %parallel_loop3A_201 : i32
        %parallel_loop3A_203 = arith.constant 64 : i32
        %parallel_loop3A_204 = arith.muli %add3A_153, %parallel_loop3A_203 : i32
        %parallel_loop3A_205 = arith.addi %parallel_loop3A_204, %parallel_loop3A_200 : i32
        %parallel_loop3A_206 = arith.index_cast %parallel_loop3A_205 : i32 to index
        %parallel_loop3A_207 = tpu.vector_load %arg7[%parallel_loop3A_206] {strides = array<i32>} : memref<8192xi32, #tpu.memory_space<vmem>>, vector<16xi32>,
        %parallel_loop3A_208 = vector.broadcast %parallel_loop3A_202 : i32 to vector<16xi32>
        %parallel_loop3A_209 = arith.constant 0 : i32
        %parallel_loop3A_210 = vector.broadcast %parallel_loop3A_209 : i32 to vector<16xi32>
        %parallel_loop3A_211 = arith.cmpi slt, %parallel_loop3A_208, %parallel_loop3A_210 : vector<16xi32>
        %parallel_loop3A_212 = arith.constant 16 : i32
        %parallel_loop3A_213 = vector.broadcast %parallel_loop3A_212 : i32 to vector<16xi32>
        %parallel_loop3A_214 = arith.addi %parallel_loop3A_208, %parallel_loop3A_213 : vector<16xi32>
        %parallel_loop3A_215 = arith.select %parallel_loop3A_211, %parallel_loop3A_214, %parallel_loop3A_208 : vector<16xi1>, vector<16xi32>
        %parallel_loop3A_216 = vector.shape_cast %parallel_loop3A_215 : vector<16xi32> to vector<16x1xi32>
        %parallel_loop3A_217 = vector.shape_cast %parallel_loop3A_216 : vector<16x1xi32> to vector<16xi32>
        %parallel_loop3A_218 = tpu.dynamic_gather %parallel_loop3A_207[%parallel_loop3A_217] in [0] : vector<16xi32>, vector<16xi32> -> vector<16xi32>
        %parallel_loop3A_219 = arith.addi %parallel_loop3A_218, %add3A_56 : vector<16xi32>
        %parallel_loop3A_220 = tpu.vector_load_idx %arg5[%parallel_loop3A_219] : memref<65792xf32, #tpu.memory_space<vmem>>[vector<16xi32>], vector<16xf32>,
        %parallel_loop3A_221 = arith.constant 0 : i32
        %parallel_loop3A_222 = arith.index_cast %parallel_loop3A_221 : i32 to index
        %parallel_loop3A_223 = arith.index_cast %parallel_loop3A_198 : i32 to index
        %parallel_loop3A_224 = arith.constant 0 : index
        %parallel_loop3A_225 = tpu.vector_load %arg6[%parallel_loop3A_222, %parallel_loop3A_223, %parallel_loop3A_224] {strides = array<i32>} : memref<2x64x256xf32, #tpu.memory_space<vmem>>, vector<16xf32>,
        tpu.vector_store %arg6[%parallel_loop3A_222, %parallel_loop3A_223, %parallel_loop3A_224], %parallel_loop3A_220 {strides = array<i32>} : memref<2x64x256xf32, #tpu.memory_space<vmem>>, vector<16xf32>,
        %parallel_loop3A_226 = arith.addi %parallel_loop3A_218, %add3A_60 : vector<16xi32>
        %parallel_loop3A_227 = tpu.vector_load_idx %arg5[%parallel_loop3A_226] : memref<65792xf32, #tpu.memory_space<vmem>>[vector<16xi32>], vector<16xf32>,
        %parallel_loop3A_228 = arith.constant 0 : i32
        %parallel_loop3A_229 = arith.index_cast %parallel_loop3A_228 : i32 to index
        %parallel_loop3A_230 = arith.index_cast %parallel_loop3A_198 : i32 to index
        %parallel_loop3A_231 = arith.constant 16 : index
        %parallel_loop3A_232 = tpu.vector_load %arg6[%parallel_loop3A_229, %parallel_loop3A_230, %parallel_loop3A_231] {strides = array<i32>} : memref<2x64x256xf32, #tpu.memory_space<vmem>>, vector<16xf32>,
        tpu.vector_store %arg6[%parallel_loop3A_229, %parallel_loop3A_230, %parallel_loop3A_231], %parallel_loop3A_227 {strides = array<i32>} : memref<2x64x256xf32, #tpu.memory_space<vmem>>, vector<16xf32>,
        %parallel_loop3A_233 = arith.addi %parallel_loop3A_218, %add3A_64 : vector<16xi32>
        %parallel_loop3A_234 = tpu.vector_load_idx %arg5[%parallel_loop3A_233] : memref<65792xf32, #tpu.memory_space<vmem>>[vector<16xi32>], vector<16xf32>,
        %parallel_loop3A_235 = arith.constant 0 : i32
        %parallel_loop3A_236 = arith.index_cast %parallel_loop3A_235 : i32 to index
        %parallel_loop3A_237 = arith.index_cast %parallel_loop3A_198 : i32 to index
        %parallel_loop3A_238 = arith.constant 32 : index
        %parallel_loop3A_239 = tpu.vector_load %arg6[%parallel_loop3A_236, %parallel_loop3A_237, %parallel_loop3A_238] {strides = array<i32>} : memref<2x64x256xf32, #tpu.memory_space<vmem>>, vector<16xf32>,
        tpu.vector_store %arg6[%parallel_loop3A_236, %parallel_loop3A_237, %parallel_loop3A_238], %parallel_loop3A_234 {strides = array<i32>} : memref<2x64x256xf32, #tpu.memory_space<vmem>>, vector<16xf32>,
        %parallel_loop3A_240 = arith.addi %parallel_loop3A_218, %add3A_68 : vector<16xi32>
        %parallel_loop3A_241 = tpu.vector_load_idx %arg5[%parallel_loop3A_240] : memref<65792xf32, #tpu.memory_space<vmem>>[vector<16xi32>], vector<16xf32>,
        %parallel_loop3A_242 = arith.constant 0 : i32
        %parallel_loop3A_243 = arith.index_cast %parallel_loop3A_242 : i32 to index
        %parallel_loop3A_244 = arith.index_cast %parallel_loop3A_198 : i32 to index
        %parallel_loop3A_245 = arith.constant 48 : index
        %parallel_loop3A_246 = tpu.vector_load %arg6[%parallel_loop3A_243, %parallel_loop3A_244, %parallel_loop3A_245] {strides = array<i32>} : memref<2x64x256xf32, #tpu.memory_space<vmem>>, vector<16xf32>,
        tpu.vector_store %arg6[%parallel_loop3A_243, %parallel_loop3A_244, %parallel_loop3A_245], %parallel_loop3A_241 {strides = array<i32>} : memref<2x64x256xf32, #tpu.memory_space<vmem>>, vector<16xf32>,
        %parallel_loop3A_247 = arith.addi %parallel_loop3A_218, %add3A_72 : vector<16xi32>
        %parallel_loop3A_248 = tpu.vector_load_idx %arg5[%parallel_loop3A_247] : memref<65792xf32, #tpu.memory_space<vmem>>[vector<16xi32>], vector<16xf32>,
        %parallel_loop3A_249 = arith.constant 0 : i32
        %parallel_loop3A_250 = arith.index_cast %parallel_loop3A_249 : i32 to index
        %parallel_loop3A_251 = arith.index_cast %parallel_loop3A_198 : i32 to index
        %parallel_loop3A_252 = arith.constant 64 : index
        %parallel_loop3A_253 = tpu.vector_load %arg6[%parallel_loop3A_250, %parallel_loop3A_251, %parallel_loop3A_252] {strides = array<i32>} : memref<2x64x256xf32, #tpu.memory_space<vmem>>, vector<16xf32>,
        tpu.vector_store %arg6[%parallel_loop3A_250, %parallel_loop3A_251, %parallel_loop3A_252], %parallel_loop3A_248 {strides = array<i32>} : memref<2x64x256xf32, #tpu.memory_space<vmem>>, vector<16xf32>,
        %parallel_loop3A_254 = arith.addi %parallel_loop3A_218, %add3A_76 : vector<16xi32>
        %parallel_loop3A_255 = tpu.vector_load_idx %arg5[%parallel_loop3A_254] : memref<65792xf32, #tpu.memory_space<vmem>>[vector<16xi32>], vector<16xf32>,
        %parallel_loop3A_256 = arith.constant 0 : i32
        %parallel_loop3A_257 = arith.index_cast %parallel_loop3A_256 : i32 to index
        %parallel_loop3A_258 = arith.index_cast %parallel_loop3A_198 : i32 to index
        %parallel_loop3A_259 = arith.constant 80 : index
        %parallel_loop3A_260 = tpu.vector_load %arg6[%parallel_loop3A_257, %parallel_loop3A_258, %parallel_loop3A_259] {strides = array<i32>} : memref<2x64x256xf32, #tpu.memory_space<vmem>>, vector<16xf32>,
        tpu.vector_store %arg6[%parallel_loop3A_257, %parallel_loop3A_258, %parallel_loop3A_259], %parallel_loop3A_255 {strides = array<i32>} : memref<2x64x256xf32, #tpu.memory_space<vmem>>, vector<16xf32>,
        %parallel_loop3A_261 = arith.addi %parallel_loop3A_218, %add3A_80 : vector<16xi32>
        %parallel_loop3A_262 = tpu.vector_load_idx %arg5[%parallel_loop3A_261] : memref<65792xf32, #tpu.memory_space<vmem>>[vector<16xi32>], vector<16xf32>,
        %parallel_loop3A_263 = arith.constant 0 : i32
        %parallel_loop3A_264 = arith.index_cast %parallel_loop3A_263 : i32 to index
        %parallel_loop3A_265 = arith.index_cast %parallel_loop3A_198 : i32 to index
        %parallel_loop3A_266 = arith.constant 96 : index
        %parallel_loop3A_267 = tpu.vector_load %arg6[%parallel_loop3A_264, %parallel_loop3A_265, %parallel_loop3A_266] {strides = array<i32>} : memref<2x64x256xf32, #tpu.memory_space<vmem>>, vector<16xf32>,
        tpu.vector_store %arg6[%parallel_loop3A_264, %parallel_loop3A_265, %parallel_loop3A_266], %parallel_loop3A_262 {strides = array<i32>} : memref<2x64x256xf32, #tpu.memory_space<vmem>>, vector<16xf32>,
        %parallel_loop3A_268 = arith.addi %parallel_loop3A_218, %add3A_84 : vector<16xi32>
        %parallel_loop3A_269 = tpu.vector_load_idx %arg5[%parallel_loop3A_268] : memref<65792xf32, #tpu.memory_space<vmem>>[vector<16xi32>], vector<16xf32>,
        %parallel_loop3A_270 = arith.constant 0 : i32
        %parallel_loop3A_271 = arith.index_cast %parallel_loop3A_270 : i32 to index
        %parallel_loop3A_272 = arith.index_cast %parallel_loop3A_198 : i32 to index
        %parallel_loop3A_273 = arith.constant 112 : index
        %parallel_loop3A_274 = tpu.vector_load %arg6[%parallel_loop3A_271, %parallel_loop3A_272, %parallel_loop3A_273] {strides = array<i32>} : memref<2x64x256xf32, #tpu.memory_space<vmem>>, vector<16xf32>,
        tpu.vector_store %arg6[%parallel_loop3A_271, %parallel_loop3A_272, %parallel_loop3A_273], %parallel_loop3A_269 {strides = array<i32>} : memref<2x64x256xf32, #tpu.memory_space<vmem>>, vector<16xf32>,
        %parallel_loop3A_275 = arith.addi %parallel_loop3A_218, %add3A_88 : vector<16xi32>
        %parallel_loop3A_276 = tpu.vector_load_idx %arg5[%parallel_loop3A_275] : memref<65792xf32, #tpu.memory_space<vmem>>[vector<16xi32>], vector<16xf32>,
        %parallel_loop3A_277 = arith.constant 0 : i32
        %parallel_loop3A_278 = arith.index_cast %parallel_loop3A_277 : i32 to index
        %parallel_loop3A_279 = arith.index_cast %parallel_loop3A_198 : i32 to index
        %parallel_loop3A_280 = arith.constant 128 : index
        %parallel_loop3A_281 = tpu.vector_load %arg6[%parallel_loop3A_278, %parallel_loop3A_279, %parallel_loop3A_280] {strides = array<i32>} : memref<2x64x256xf32, #tpu.memory_space<vmem>>, vector<16xf32>,
        tpu.vector_store %arg6[%parallel_loop3A_278, %parallel_loop3A_279, %parallel_loop3A_280], %parallel_loop3A_276 {strides = array<i32>} : memref<2x64x256xf32, #tpu.memory_space<vmem>>, vector<16xf32>,
        %parallel_loop3A_282 = arith.addi %parallel_loop3A_218, %add3A_92 : vector<16xi32>
        %parallel_loop3A_283 = tpu.vector_load_idx %arg5[%parallel_loop3A_282] : memref<65792xf32, #tpu.memory_space<vmem>>[vector<16xi32>], vector<16xf32>,
        %parallel_loop3A_284 = arith.constant 0 : i32
        %parallel_loop3A_285 = arith.index_cast %parallel_loop3A_284 : i32 to index
        %parallel_loop3A_286 = arith.index_cast %parallel_loop3A_198 : i32 to index
        %parallel_loop3A_287 = arith.constant 144 : index
        %parallel_loop3A_288 = tpu.vector_load %arg6[%parallel_loop3A_285, %parallel_loop3A_286, %parallel_loop3A_287] {strides = array<i32>} : memref<2x64x256xf32, #tpu.memory_space<vmem>>, vector<16xf32>,
        tpu.vector_store %arg6[%parallel_loop3A_285, %parallel_loop3A_286, %parallel_loop3A_287], %parallel_loop3A_283 {strides = array<i32>} : memref<2x64x256xf32, #tpu.memory_space<vmem>>, vector<16xf32>,
        %parallel_loop3A_289 = arith.addi %parallel_loop3A_218, %add3A_96 : vector<16xi32>
        %parallel_loop3A_290 = tpu.vector_load_idx %arg5[%parallel_loop3A_289] : memref<65792xf32, #tpu.memory_space<vmem>>[vector<16xi32>], vector<16xf32>,
        %parallel_loop3A_291 = arith.constant 0 : i32
        %parallel_loop3A_292 = arith.index_cast %parallel_loop3A_291 : i32 to index
        %parallel_loop3A_293 = arith.index_cast %parallel_loop3A_198 : i32 to index
        %parallel_loop3A_294 = arith.constant 160 : index
        %parallel_loop3A_295 = tpu.vector_load %arg6[%parallel_loop3A_292, %parallel_loop3A_293, %parallel_loop3A_294] {strides = array<i32>} : memref<2x64x256xf32, #tpu.memory_space<vmem>>, vector<16xf32>,
        tpu.vector_store %arg6[%parallel_loop3A_292, %parallel_loop3A_293, %parallel_loop3A_294], %parallel_loop3A_290 {strides = array<i32>} : memref<2x64x256xf32, #tpu.memory_space<vmem>>, vector<16xf32>,
        %parallel_loop3A_296 = arith.addi %parallel_loop3A_218, %add3A_100 : vector<16xi32>
        %parallel_loop3A_297 = tpu.vector_load_idx %arg5[%parallel_loop3A_296] : memref<65792xf32, #tpu.memory_space<vmem>>[vector<16xi32>], vector<16xf32>,
        %parallel_loop3A_298 = arith.constant 0 : i32
        %parallel_loop3A_299 = arith.index_cast %parallel_loop3A_298 : i32 to index
        %parallel_loop3A_300 = arith.index_cast %parallel_loop3A_198 : i32 to index
        %parallel_loop3A_301 = arith.constant 176 : index
        %parallel_loop3A_302 = tpu.vector_load %arg6[%parallel_loop3A_299, %parallel_loop3A_300, %parallel_loop3A_301] {strides = array<i32>} : memref<2x64x256xf32, #tpu.memory_space<vmem>>, vector<16xf32>,
        tpu.vector_store %arg6[%parallel_loop3A_299, %parallel_loop3A_300, %parallel_loop3A_301], %parallel_loop3A_297 {strides = array<i32>} : memref<2x64x256xf32, #tpu.memory_space<vmem>>, vector<16xf32>,
        %parallel_loop3A_303 = arith.addi %parallel_loop3A_218, %add3A_104 : vector<16xi32>
        %parallel_loop3A_304 = tpu.vector_load_idx %arg5[%parallel_loop3A_303] : memref<65792xf32, #tpu.memory_space<vmem>>[vector<16xi32>], vector<16xf32>,
        %parallel_loop3A_305 = arith.constant 0 : i32
        %parallel_loop3A_306 = arith.index_cast %parallel_loop3A_305 : i32 to index
        %parallel_loop3A_307 = arith.index_cast %parallel_loop3A_198 : i32 to index
        %parallel_loop3A_308 = arith.constant 192 : index
        %parallel_loop3A_309 = tpu.vector_load %arg6[%parallel_loop3A_306, %parallel_loop3A_307, %parallel_loop3A_308] {strides = array<i32>} : memref<2x64x256xf32, #tpu.memory_space<vmem>>, vector<16xf32>,
        tpu.vector_store %arg6[%parallel_loop3A_306, %parallel_loop3A_307, %parallel_loop3A_308], %parallel_loop3A_304 {strides = array<i32>} : memref<2x64x256xf32, #tpu.memory_space<vmem>>, vector<16xf32>,
        %parallel_loop3A_310 = arith.addi %parallel_loop3A_218, %add3A_108 : vector<16xi32>
        %parallel_loop3A_311 = tpu.vector_load_idx %arg5[%parallel_loop3A_310] : memref<65792xf32, #tpu.memory_space<vmem>>[vector<16xi32>], vector<16xf32>,
        %parallel_loop3A_312 = arith.constant 0 : i32
        %parallel_loop3A_313 = arith.index_cast %parallel_loop3A_312 : i32 to index
        %parallel_loop3A_314 = arith.index_cast %parallel_loop3A_198 : i32 to index
        %parallel_loop3A_315 = arith.constant 208 : index
        %parallel_loop3A_316 = tpu.vector_load %arg6[%parallel_loop3A_313, %parallel_loop3A_314, %parallel_loop3A_315] {strides = array<i32>} : memref<2x64x256xf32, #tpu.memory_space<vmem>>, vector<16xf32>,
        tpu.vector_store %arg6[%parallel_loop3A_313, %parallel_loop3A_314, %parallel_loop3A_315], %parallel_loop3A_311 {strides = array<i32>} : memref<2x64x256xf32, #tpu.memory_space<vmem>>, vector<16xf32>,
        %parallel_loop3A_317 = arith.addi %parallel_loop3A_218, %add3A_112 : vector<16xi32>
        %parallel_loop3A_318 = tpu.vector_load_idx %arg5[%parallel_loop3A_317] : memref<65792xf32, #tpu.memory_space<vmem>>[vector<16xi32>], vector<16xf32>,
        %parallel_loop3A_319 = arith.constant 0 : i32
        %parallel_loop3A_320 = arith.index_cast %parallel_loop3A_319 : i32 to index
        %parallel_loop3A_321 = arith.index_cast %parallel_loop3A_198 : i32 to index
        %parallel_loop3A_322 = arith.constant 224 : index
        %parallel_loop3A_323 = tpu.vector_load %arg6[%parallel_loop3A_320, %parallel_loop3A_321, %parallel_loop3A_322] {strides = array<i32>} : memref<2x64x256xf32, #tpu.memory_space<vmem>>, vector<16xf32>,
        tpu.vector_store %arg6[%parallel_loop3A_320, %parallel_loop3A_321, %parallel_loop3A_322], %parallel_loop3A_318 {strides = array<i32>} : memref<2x64x256xf32, #tpu.memory_space<vmem>>, vector<16xf32>,
        %parallel_loop3A_324 = arith.addi %parallel_loop3A_218, %add3A_116 : vector<16xi32>
        %parallel_loop3A_325 = tpu.vector_load_idx %arg5[%parallel_loop3A_324] : memref<65792xf32, #tpu.memory_space<vmem>>[vector<16xi32>], vector<16xf32>,
        %parallel_loop3A_326 = arith.constant 0 : i32
        %parallel_loop3A_327 = arith.index_cast %parallel_loop3A_326 : i32 to index
        %parallel_loop3A_328 = arith.index_cast %parallel_loop3A_198 : i32 to index
        %parallel_loop3A_329 = arith.constant 240 : index
        %parallel_loop3A_330 = tpu.vector_load %arg6[%parallel_loop3A_327, %parallel_loop3A_328, %parallel_loop3A_329] {strides = array<i32>} : memref<2x64x256xf32, #tpu.memory_space<vmem>>, vector<16xf32>,
        tpu.vector_store %arg6[%parallel_loop3A_327, %parallel_loop3A_328, %parallel_loop3A_329], %parallel_loop3A_325 {strides = array<i32>} : memref<2x64x256xf32, #tpu.memory_space<vmem>>, vector<16xf32>,
      } {sc.loop_unroll_factor = 4 : i64, sc.parallel_access}
      %dma_start3A_161 = arith.constant 0 : i32
      %dma_start3A_162 = arith.constant 0 : i32
      %dma_start3A_163 = arith.constant 0 : i32
      %dma_start3A_164 = tpu.memref_slice %arg6[%dma_start3A_161, %dma_start3A_162, %dma_start3A_163] : memref<2x64x256xf32, #tpu.memory_space<vmem>> -> memref<1x64x256xf32, #tpu.memory_space<vmem>>
      %dma_start3A_165 = tpu.memref_squeeze %dma_start3A_164 : memref<1x64x256xf32, #tpu.memory_space<vmem>> -> memref<64x256xf32, #tpu.memory_space<vmem>>
      %dma_start3A_166 = tpu.memref_slice %arg4[%add3A_156, %mul3A_34] : memref<65536x1024xf32, #tpu.memory_space<hbm>> -> memref<64x256xf32, #tpu.memory_space<hbm>>
      %dma_start3A_167 = tpu.memref_slice %arg4[%add3A_156, %mul3A_34] : memref<65536x1024xf32, #tpu.memory_space<hbm>> -> memref<64x256xf32, #tpu.memory_space<hbm>>
      %dma_start3A_168 = arith.constant 0 : i32
      %dma_start3A_169 = arith.constant 0 : i32
      %dma_start3A_170 = tpu.memref_slice %arg6[%dma_start3A_161, %dma_start3A_168, %dma_start3A_169] : memref<2x64x256xf32, #tpu.memory_space<vmem>> -> memref<1x64x256xf32, #tpu.memory_space<vmem>>
      %dma_start3A_171 = tpu.memref_squeeze %dma_start3A_170 : memref<1x64x256xf32, #tpu.memory_space<vmem>> -> memref<64x256xf32, #tpu.memory_space<vmem>>
      tpu.enqueue_dma source(%dma_start3A_171 : memref<64x256xf32, #tpu.memory_space<vmem>>) target(%dma_start3A_167 : memref<64x256xf32, #tpu.memory_space<hbm>>) target_semaphore(%arg9 : memref<!tpu.dma_semaphore, #tpu.memory_space<semaphore_mem>>)
      %mul3A_172 = arith.constant 2 : i32
      %mul3A_173 = arith.muli %scan3A_149, %mul3A_172 : i32
      %add3A_174 = arith.constant 1 : i32
      %add3A_175 = arith.addi %mul3A_173, %add3A_174 : i32
      %mul3A_176 = arith.constant 64 : i32
      %mul3A_177 = arith.muli %add3A_175, %mul3A_176 : i32
      %add3A_178 = arith.addi %mul3A_32, %mul3A_177 : i32
      %gt3A_179 = arith.constant 0 : i32
      %gt3A_180 = arith.cmpi sgt, %scan3A_149, %gt3A_179 : i32
      %convert_element_type3A_181 = arith.extui %gt3A_180 : i1 to i32
      %cond3A_182 = arith.constant 0 : i32
      %cond3A_183 = arith.cmpi ne, %convert_element_type3A_181, %cond3A_182 : i32
      scf.if %cond3A_183 {
        %sub3A_198 = arith.constant 128 : i32
        %sub3A_199 = arith.subi %add3A_178, %sub3A_198 : i32
        %dma_wait3A_200 = arith.constant 1 : i32
        %dma_wait3A_201 = arith.constant 0 : i32
        %dma_wait3A_202 = arith.constant 0 : i32
        %dma_wait3A_203 = tpu.memref_slice %arg6[%dma_wait3A_200, %dma_wait3A_201, %dma_wait3A_202] : memref<2x64x256xf32, #tpu.memory_space<vmem>> -> memref<1x64x256xf32, #tpu.memory_space<vmem>>
        %dma_wait3A_204 = tpu.memref_squeeze %dma_wait3A_203 : memref<1x64x256xf32, #tpu.memory_space<vmem>> -> memref<64x256xf32, #tpu.memory_space<vmem>>
        %dma_wait3A_205 = tpu.memref_slice %arg4[%sub3A_199, %mul3A_34] : memref<65536x1024xf32, #tpu.memory_space<hbm>> -> memref<64x256xf32, #tpu.memory_space<hbm>>
        %dma_wait3A_206 = tpu.memref_slice %arg4[%sub3A_199, %mul3A_34] : memref<65536x1024xf32, #tpu.memory_space<hbm>> -> memref<64x256xf32, #tpu.memory_space<hbm>>
        %dma_wait3A_207 = arith.constant 0 : i32
        %dma_wait3A_208 = arith.constant 0 : i32
        %dma_wait3A_209 = tpu.memref_slice %arg6[%dma_wait3A_200, %dma_wait3A_207, %dma_wait3A_208] : memref<2x64x256xf32, #tpu.memory_space<vmem>> -> memref<1x64x256xf32, #tpu.memory_space<vmem>>
        %dma_wait3A_210 = tpu.memref_squeeze %dma_wait3A_209 : memref<1x64x256xf32, #tpu.memory_space<vmem>> -> memref<64x256xf32, #tpu.memory_space<vmem>>
        tpu.wait_dma2 semaphore(%arg10 : memref<!tpu.dma_semaphore, #tpu.memory_space<semaphore_mem>>) src(%dma_wait3A_210 : memref<64x256xf32, #tpu.memory_space<vmem>>) dst(%dma_wait3A_206 : memref<64x256xf32, #tpu.memory_space<hbm>>)
      } else {
      }
      %parallel_loop3A_184 = arith.constant 0 : i32
      %parallel_loop3A_185 = arith.constant 64 : i32
      %parallel_loop3A_186 = arith.constant 1 : i32
      scf.for %parallel_loop3A_198 = %parallel_loop3A_184 to %parallel_loop3A_185 step %parallel_loop3A_186  : i32 {
        %parallel_loop3A_199 = arith.constant -16 : i32
        %parallel_loop3A_200 = arith.andi %parallel_loop3A_198, %parallel_loop3A_199 : i32
        %parallel_loop3A_201 = arith.constant 15 : i32
        %parallel_loop3A_202 = arith.andi %parallel_loop3A_198, %parallel_loop3A_201 : i32
        %parallel_loop3A_203 = arith.constant 64 : i32
        %parallel_loop3A_204 = arith.muli %add3A_175, %parallel_loop3A_203 : i32
        %parallel_loop3A_205 = arith.addi %parallel_loop3A_204, %parallel_loop3A_200 : i32
        %parallel_loop3A_206 = arith.index_cast %parallel_loop3A_205 : i32 to index
        %parallel_loop3A_207 = tpu.vector_load %arg7[%parallel_loop3A_206] {strides = array<i32>} : memref<8192xi32, #tpu.memory_space<vmem>>, vector<16xi32>,
        %parallel_loop3A_208 = vector.broadcast %parallel_loop3A_202 : i32 to vector<16xi32>
        %parallel_loop3A_209 = arith.constant 0 : i32
        %parallel_loop3A_210 = vector.broadcast %parallel_loop3A_209 : i32 to vector<16xi32>
        %parallel_loop3A_211 = arith.cmpi slt, %parallel_loop3A_208, %parallel_loop3A_210 : vector<16xi32>
        %parallel_loop3A_212 = arith.constant 16 : i32
        %parallel_loop3A_213 = vector.broadcast %parallel_loop3A_212 : i32 to vector<16xi32>
        %parallel_loop3A_214 = arith.addi %parallel_loop3A_208, %parallel_loop3A_213 : vector<16xi32>
        %parallel_loop3A_215 = arith.select %parallel_loop3A_211, %parallel_loop3A_214, %parallel_loop3A_208 : vector<16xi1>, vector<16xi32>
        %parallel_loop3A_216 = vector.shape_cast %parallel_loop3A_215 : vector<16xi32> to vector<16x1xi32>
        %parallel_loop3A_217 = vector.shape_cast %parallel_loop3A_216 : vector<16x1xi32> to vector<16xi32>
        %parallel_loop3A_218 = tpu.dynamic_gather %parallel_loop3A_207[%parallel_loop3A_217] in [0] : vector<16xi32>, vector<16xi32> -> vector<16xi32>
        %parallel_loop3A_219 = arith.addi %parallel_loop3A_218, %add3A_56 : vector<16xi32>
        %parallel_loop3A_220 = tpu.vector_load_idx %arg5[%parallel_loop3A_219] : memref<65792xf32, #tpu.memory_space<vmem>>[vector<16xi32>], vector<16xf32>,
        %parallel_loop3A_221 = arith.constant 1 : i32
        %parallel_loop3A_222 = arith.index_cast %parallel_loop3A_221 : i32 to index
        %parallel_loop3A_223 = arith.index_cast %parallel_loop3A_198 : i32 to index
        %parallel_loop3A_224 = arith.constant 0 : index
        %parallel_loop3A_225 = tpu.vector_load %arg6[%parallel_loop3A_222, %parallel_loop3A_223, %parallel_loop3A_224] {strides = array<i32>} : memref<2x64x256xf32, #tpu.memory_space<vmem>>, vector<16xf32>,
        tpu.vector_store %arg6[%parallel_loop3A_222, %parallel_loop3A_223, %parallel_loop3A_224], %parallel_loop3A_220 {strides = array<i32>} : memref<2x64x256xf32, #tpu.memory_space<vmem>>, vector<16xf32>,
        %parallel_loop3A_226 = arith.addi %parallel_loop3A_218, %add3A_60 : vector<16xi32>
        %parallel_loop3A_227 = tpu.vector_load_idx %arg5[%parallel_loop3A_226] : memref<65792xf32, #tpu.memory_space<vmem>>[vector<16xi32>], vector<16xf32>,
        %parallel_loop3A_228 = arith.constant 1 : i32
        %parallel_loop3A_229 = arith.index_cast %parallel_loop3A_228 : i32 to index
        %parallel_loop3A_230 = arith.index_cast %parallel_loop3A_198 : i32 to index
        %parallel_loop3A_231 = arith.constant 16 : index
        %parallel_loop3A_232 = tpu.vector_load %arg6[%parallel_loop3A_229, %parallel_loop3A_230, %parallel_loop3A_231] {strides = array<i32>} : memref<2x64x256xf32, #tpu.memory_space<vmem>>, vector<16xf32>,
        tpu.vector_store %arg6[%parallel_loop3A_229, %parallel_loop3A_230, %parallel_loop3A_231], %parallel_loop3A_227 {strides = array<i32>} : memref<2x64x256xf32, #tpu.memory_space<vmem>>, vector<16xf32>,
        %parallel_loop3A_233 = arith.addi %parallel_loop3A_218, %add3A_64 : vector<16xi32>
        %parallel_loop3A_234 = tpu.vector_load_idx %arg5[%parallel_loop3A_233] : memref<65792xf32, #tpu.memory_space<vmem>>[vector<16xi32>], vector<16xf32>,
        %parallel_loop3A_235 = arith.constant 1 : i32
        %parallel_loop3A_236 = arith.index_cast %parallel_loop3A_235 : i32 to index
        %parallel_loop3A_237 = arith.index_cast %parallel_loop3A_198 : i32 to index
        %parallel_loop3A_238 = arith.constant 32 : index
        %parallel_loop3A_239 = tpu.vector_load %arg6[%parallel_loop3A_236, %parallel_loop3A_237, %parallel_loop3A_238] {strides = array<i32>} : memref<2x64x256xf32, #tpu.memory_space<vmem>>, vector<16xf32>,
        tpu.vector_store %arg6[%parallel_loop3A_236, %parallel_loop3A_237, %parallel_loop3A_238], %parallel_loop3A_234 {strides = array<i32>} : memref<2x64x256xf32, #tpu.memory_space<vmem>>, vector<16xf32>,
        %parallel_loop3A_240 = arith.addi %parallel_loop3A_218, %add3A_68 : vector<16xi32>
        %parallel_loop3A_241 = tpu.vector_load_idx %arg5[%parallel_loop3A_240] : memref<65792xf32, #tpu.memory_space<vmem>>[vector<16xi32>], vector<16xf32>,
        %parallel_loop3A_242 = arith.constant 1 : i32
        %parallel_loop3A_243 = arith.index_cast %parallel_loop3A_242 : i32 to index
        %parallel_loop3A_244 = arith.index_cast %parallel_loop3A_198 : i32 to index
        %parallel_loop3A_245 = arith.constant 48 : index
        %parallel_loop3A_246 = tpu.vector_load %arg6[%parallel_loop3A_243, %parallel_loop3A_244, %parallel_loop3A_245] {strides = array<i32>} : memref<2x64x256xf32, #tpu.memory_space<vmem>>, vector<16xf32>,
        tpu.vector_store %arg6[%parallel_loop3A_243, %parallel_loop3A_244, %parallel_loop3A_245], %parallel_loop3A_241 {strides = array<i32>} : memref<2x64x256xf32, #tpu.memory_space<vmem>>, vector<16xf32>,
        %parallel_loop3A_247 = arith.addi %parallel_loop3A_218, %add3A_72 : vector<16xi32>
        %parallel_loop3A_248 = tpu.vector_load_idx %arg5[%parallel_loop3A_247] : memref<65792xf32, #tpu.memory_space<vmem>>[vector<16xi32>], vector<16xf32>,
        %parallel_loop3A_249 = arith.constant 1 : i32
        %parallel_loop3A_250 = arith.index_cast %parallel_loop3A_249 : i32 to index
        %parallel_loop3A_251 = arith.index_cast %parallel_loop3A_198 : i32 to index
        %parallel_loop3A_252 = arith.constant 64 : index
        %parallel_loop3A_253 = tpu.vector_load %arg6[%parallel_loop3A_250, %parallel_loop3A_251, %parallel_loop3A_252] {strides = array<i32>} : memref<2x64x256xf32, #tpu.memory_space<vmem>>, vector<16xf32>,
        tpu.vector_store %arg6[%parallel_loop3A_250, %parallel_loop3A_251, %parallel_loop3A_252], %parallel_loop3A_248 {strides = array<i32>} : memref<2x64x256xf32, #tpu.memory_space<vmem>>, vector<16xf32>,
        %parallel_loop3A_254 = arith.addi %parallel_loop3A_218, %add3A_76 : vector<16xi32>
        %parallel_loop3A_255 = tpu.vector_load_idx %arg5[%parallel_loop3A_254] : memref<65792xf32, #tpu.memory_space<vmem>>[vector<16xi32>], vector<16xf32>,
        %parallel_loop3A_256 = arith.constant 1 : i32
        %parallel_loop3A_257 = arith.index_cast %parallel_loop3A_256 : i32 to index
        %parallel_loop3A_258 = arith.index_cast %parallel_loop3A_198 : i32 to index
        %parallel_loop3A_259 = arith.constant 80 : index
        %parallel_loop3A_260 = tpu.vector_load %arg6[%parallel_loop3A_257, %parallel_loop3A_258, %parallel_loop3A_259] {strides = array<i32>} : memref<2x64x256xf32, #tpu.memory_space<vmem>>, vector<16xf32>,
        tpu.vector_store %arg6[%parallel_loop3A_257, %parallel_loop3A_258, %parallel_loop3A_259], %parallel_loop3A_255 {strides = array<i32>} : memref<2x64x256xf32, #tpu.memory_space<vmem>>, vector<16xf32>,
        %parallel_loop3A_261 = arith.addi %parallel_loop3A_218, %add3A_80 : vector<16xi32>
        %parallel_loop3A_262 = tpu.vector_load_idx %arg5[%parallel_loop3A_261] : memref<65792xf32, #tpu.memory_space<vmem>>[vector<16xi32>], vector<16xf32>,
        %parallel_loop3A_263 = arith.constant 1 : i32
        %parallel_loop3A_264 = arith.index_cast %parallel_loop3A_263 : i32 to index
        %parallel_loop3A_265 = arith.index_cast %parallel_loop3A_198 : i32 to index
        %parallel_loop3A_266 = arith.constant 96 : index
        %parallel_loop3A_267 = tpu.vector_load %arg6[%parallel_loop3A_264, %parallel_loop3A_265, %parallel_loop3A_266] {strides = array<i32>} : memref<2x64x256xf32, #tpu.memory_space<vmem>>, vector<16xf32>,
        tpu.vector_store %arg6[%parallel_loop3A_264, %parallel_loop3A_265, %parallel_loop3A_266], %parallel_loop3A_262 {strides = array<i32>} : memref<2x64x256xf32, #tpu.memory_space<vmem>>, vector<16xf32>,
        %parallel_loop3A_268 = arith.addi %parallel_loop3A_218, %add3A_84 : vector<16xi32>
        %parallel_loop3A_269 = tpu.vector_load_idx %arg5[%parallel_loop3A_268] : memref<65792xf32, #tpu.memory_space<vmem>>[vector<16xi32>], vector<16xf32>,
        %parallel_loop3A_270 = arith.constant 1 : i32
        %parallel_loop3A_271 = arith.index_cast %parallel_loop3A_270 : i32 to index
        %parallel_loop3A_272 = arith.index_cast %parallel_loop3A_198 : i32 to index
        %parallel_loop3A_273 = arith.constant 112 : index
        %parallel_loop3A_274 = tpu.vector_load %arg6[%parallel_loop3A_271, %parallel_loop3A_272, %parallel_loop3A_273] {strides = array<i32>} : memref<2x64x256xf32, #tpu.memory_space<vmem>>, vector<16xf32>,
        tpu.vector_store %arg6[%parallel_loop3A_271, %parallel_loop3A_272, %parallel_loop3A_273], %parallel_loop3A_269 {strides = array<i32>} : memref<2x64x256xf32, #tpu.memory_space<vmem>>, vector<16xf32>,
        %parallel_loop3A_275 = arith.addi %parallel_loop3A_218, %add3A_88 : vector<16xi32>
        %parallel_loop3A_276 = tpu.vector_load_idx %arg5[%parallel_loop3A_275] : memref<65792xf32, #tpu.memory_space<vmem>>[vector<16xi32>], vector<16xf32>,
        %parallel_loop3A_277 = arith.constant 1 : i32
        %parallel_loop3A_278 = arith.index_cast %parallel_loop3A_277 : i32 to index
        %parallel_loop3A_279 = arith.index_cast %parallel_loop3A_198 : i32 to index
        %parallel_loop3A_280 = arith.constant 128 : index
        %parallel_loop3A_281 = tpu.vector_load %arg6[%parallel_loop3A_278, %parallel_loop3A_279, %parallel_loop3A_280] {strides = array<i32>} : memref<2x64x256xf32, #tpu.memory_space<vmem>>, vector<16xf32>,
        tpu.vector_store %arg6[%parallel_loop3A_278, %parallel_loop3A_279, %parallel_loop3A_280], %parallel_loop3A_276 {strides = array<i32>} : memref<2x64x256xf32, #tpu.memory_space<vmem>>, vector<16xf32>,
        %parallel_loop3A_282 = arith.addi %parallel_loop3A_218, %add3A_92 : vector<16xi32>
        %parallel_loop3A_283 = tpu.vector_load_idx %arg5[%parallel_loop3A_282] : memref<65792xf32, #tpu.memory_space<vmem>>[vector<16xi32>], vector<16xf32>,
        %parallel_loop3A_284 = arith.constant 1 : i32
        %parallel_loop3A_285 = arith.index_cast %parallel_loop3A_284 : i32 to index
        %parallel_loop3A_286 = arith.index_cast %parallel_loop3A_198 : i32 to index
        %parallel_loop3A_287 = arith.constant 144 : index
        %parallel_loop3A_288 = tpu.vector_load %arg6[%parallel_loop3A_285, %parallel_loop3A_286, %parallel_loop3A_287] {strides = array<i32>} : memref<2x64x256xf32, #tpu.memory_space<vmem>>, vector<16xf32>,
        tpu.vector_store %arg6[%parallel_loop3A_285, %parallel_loop3A_286, %parallel_loop3A_287], %parallel_loop3A_283 {strides = array<i32>} : memref<2x64x256xf32, #tpu.memory_space<vmem>>, vector<16xf32>,
        %parallel_loop3A_289 = arith.addi %parallel_loop3A_218, %add3A_96 : vector<16xi32>
        %parallel_loop3A_290 = tpu.vector_load_idx %arg5[%parallel_loop3A_289] : memref<65792xf32, #tpu.memory_space<vmem>>[vector<16xi32>], vector<16xf32>,
        %parallel_loop3A_291 = arith.constant 1 : i32
        %parallel_loop3A_292 = arith.index_cast %parallel_loop3A_291 : i32 to index
        %parallel_loop3A_293 = arith.index_cast %parallel_loop3A_198 : i32 to index
        %parallel_loop3A_294 = arith.constant 160 : index
        %parallel_loop3A_295 = tpu.vector_load %arg6[%parallel_loop3A_292, %parallel_loop3A_293, %parallel_loop3A_294] {strides = array<i32>} : memref<2x64x256xf32, #tpu.memory_space<vmem>>, vector<16xf32>,
        tpu.vector_store %arg6[%parallel_loop3A_292, %parallel_loop3A_293, %parallel_loop3A_294], %parallel_loop3A_290 {strides = array<i32>} : memref<2x64x256xf32, #tpu.memory_space<vmem>>, vector<16xf32>,
        %parallel_loop3A_296 = arith.addi %parallel_loop3A_218, %add3A_100 : vector<16xi32>
        %parallel_loop3A_297 = tpu.vector_load_idx %arg5[%parallel_loop3A_296] : memref<65792xf32, #tpu.memory_space<vmem>>[vector<16xi32>], vector<16xf32>,
        %parallel_loop3A_298 = arith.constant 1 : i32
        %parallel_loop3A_299 = arith.index_cast %parallel_loop3A_298 : i32 to index
        %parallel_loop3A_300 = arith.index_cast %parallel_loop3A_198 : i32 to index
        %parallel_loop3A_301 = arith.constant 176 : index
        %parallel_loop3A_302 = tpu.vector_load %arg6[%parallel_loop3A_299, %parallel_loop3A_300, %parallel_loop3A_301] {strides = array<i32>} : memref<2x64x256xf32, #tpu.memory_space<vmem>>, vector<16xf32>,
        tpu.vector_store %arg6[%parallel_loop3A_299, %parallel_loop3A_300, %parallel_loop3A_301], %parallel_loop3A_297 {strides = array<i32>} : memref<2x64x256xf32, #tpu.memory_space<vmem>>, vector<16xf32>,
        %parallel_loop3A_303 = arith.addi %parallel_loop3A_218, %add3A_104 : vector<16xi32>
        %parallel_loop3A_304 = tpu.vector_load_idx %arg5[%parallel_loop3A_303] : memref<65792xf32, #tpu.memory_space<vmem>>[vector<16xi32>], vector<16xf32>,
        %parallel_loop3A_305 = arith.constant 1 : i32
        %parallel_loop3A_306 = arith.index_cast %parallel_loop3A_305 : i32 to index
        %parallel_loop3A_307 = arith.index_cast %parallel_loop3A_198 : i32 to index
        %parallel_loop3A_308 = arith.constant 192 : index
        %parallel_loop3A_309 = tpu.vector_load %arg6[%parallel_loop3A_306, %parallel_loop3A_307, %parallel_loop3A_308] {strides = array<i32>} : memref<2x64x256xf32, #tpu.memory_space<vmem>>, vector<16xf32>,
        tpu.vector_store %arg6[%parallel_loop3A_306, %parallel_loop3A_307, %parallel_loop3A_308], %parallel_loop3A_304 {strides = array<i32>} : memref<2x64x256xf32, #tpu.memory_space<vmem>>, vector<16xf32>,
        %parallel_loop3A_310 = arith.addi %parallel_loop3A_218, %add3A_108 : vector<16xi32>
        %parallel_loop3A_311 = tpu.vector_load_idx %arg5[%parallel_loop3A_310] : memref<65792xf32, #tpu.memory_space<vmem>>[vector<16xi32>], vector<16xf32>,
        %parallel_loop3A_312 = arith.constant 1 : i32
        %parallel_loop3A_313 = arith.index_cast %parallel_loop3A_312 : i32 to index
        %parallel_loop3A_314 = arith.index_cast %parallel_loop3A_198 : i32 to index
        %parallel_loop3A_315 = arith.constant 208 : index
        %parallel_loop3A_316 = tpu.vector_load %arg6[%parallel_loop3A_313, %parallel_loop3A_314, %parallel_loop3A_315] {strides = array<i32>} : memref<2x64x256xf32, #tpu.memory_space<vmem>>, vector<16xf32>,
        tpu.vector_store %arg6[%parallel_loop3A_313, %parallel_loop3A_314, %parallel_loop3A_315], %parallel_loop3A_311 {strides = array<i32>} : memref<2x64x256xf32, #tpu.memory_space<vmem>>, vector<16xf32>,
        %parallel_loop3A_317 = arith.addi %parallel_loop3A_218, %add3A_112 : vector<16xi32>
        %parallel_loop3A_318 = tpu.vector_load_idx %arg5[%parallel_loop3A_317] : memref<65792xf32, #tpu.memory_space<vmem>>[vector<16xi32>], vector<16xf32>,
        %parallel_loop3A_319 = arith.constant 1 : i32
        %parallel_loop3A_320 = arith.index_cast %parallel_loop3A_319 : i32 to index
        %parallel_loop3A_321 = arith.index_cast %parallel_loop3A_198 : i32 to index
        %parallel_loop3A_322 = arith.constant 224 : index
        %parallel_loop3A_323 = tpu.vector_load %arg6[%parallel_loop3A_320, %parallel_loop3A_321, %parallel_loop3A_322] {strides = array<i32>} : memref<2x64x256xf32, #tpu.memory_space<vmem>>, vector<16xf32>,
        tpu.vector_store %arg6[%parallel_loop3A_320, %parallel_loop3A_321, %parallel_loop3A_322], %parallel_loop3A_318 {strides = array<i32>} : memref<2x64x256xf32, #tpu.memory_space<vmem>>, vector<16xf32>,
        %parallel_loop3A_324 = arith.addi %parallel_loop3A_218, %add3A_116 : vector<16xi32>
        %parallel_loop3A_325 = tpu.vector_load_idx %arg5[%parallel_loop3A_324] : memref<65792xf32, #tpu.memory_space<vmem>>[vector<16xi32>], vector<16xf32>,
        %parallel_loop3A_326 = arith.constant 1 : i32
        %parallel_loop3A_327 = arith.index_cast %parallel_loop3A_326 : i32 to index
        %parallel_loop3A_328 = arith.index_cast %parallel_loop3A_198 : i32 to index
        %parallel_loop3A_329 = arith.constant 240 : index
        %parallel_loop3A_330 = tpu.vector_load %arg6[%parallel_loop3A_327, %parallel_loop3A_328, %parallel_loop3A_329] {strides = array<i32>} : memref<2x64x256xf32, #tpu.memory_space<vmem>>, vector<16xf32>,
        tpu.vector_store %arg6[%parallel_loop3A_327, %parallel_loop3A_328, %parallel_loop3A_329], %parallel_loop3A_325 {strides = array<i32>} : memref<2x64x256xf32, #tpu.memory_space<vmem>>, vector<16xf32>,
      } {sc.loop_unroll_factor = 4 : i64, sc.parallel_access}
      %dma_start3A_187 = arith.constant 1 : i32
      %dma_start3A_188 = arith.constant 0 : i32
      %dma_start3A_189 = arith.constant 0 : i32
      %dma_start3A_190 = tpu.memref_slice %arg6[%dma_start3A_187, %dma_start3A_188, %dma_start3A_189] : memref<2x64x256xf32, #tpu.memory_space<vmem>> -> memref<1x64x256xf32, #tpu.memory_space<vmem>>
      %dma_start3A_191 = tpu.memref_squeeze %dma_start3A_190 : memref<1x64x256xf32, #tpu.memory_space<vmem>> -> memref<64x256xf32, #tpu.memory_space<vmem>>
      %dma_start3A_192 = tpu.memref_slice %arg4[%add3A_178, %mul3A_34] : memref<65536x1024xf32, #tpu.memory_space<hbm>> -> memref<64x256xf32, #tpu.memory_space<hbm>>
      %dma_start3A_193 = tpu.memref_slice %arg4[%add3A_178, %mul3A_34] : memref<65536x1024xf32, #tpu.memory_space<hbm>> -> memref<64x256xf32, #tpu.memory_space<hbm>>
      %dma_start3A_194 = arith.constant 0 : i32
      %dma_start3A_195 = arith.constant 0 : i32
      %dma_start3A_196 = tpu.memref_slice %arg6[%dma_start3A_187, %dma_start3A_194, %dma_start3A_195] : memref<2x64x256xf32, #tpu.memory_space<vmem>> -> memref<1x64x256xf32, #tpu.memory_space<vmem>>
      %dma_start3A_197 = tpu.memref_squeeze %dma_start3A_196 : memref<1x64x256xf32, #tpu.memory_space<vmem>> -> memref<64x256xf32, #tpu.memory_space<vmem>>
      tpu.enqueue_dma source(%dma_start3A_197 : memref<64x256xf32, #tpu.memory_space<vmem>>) target(%dma_start3A_193 : memref<64x256xf32, #tpu.memory_space<hbm>>) target_semaphore(%arg10 : memref<!tpu.dma_semaphore, #tpu.memory_space<semaphore_mem>>)
    }
    %scan3A_122 = arith.constant 64 : i32
    %add3A_123 = arith.constant 8064 : i32
    %add3A_124 = arith.addi %mul3A_32, %add3A_123 : i32
    %dma_wait3A_125 = arith.constant 0 : i32
    %dma_wait3A_126 = arith.constant 0 : i32
    %dma_wait3A_127 = arith.constant 0 : i32
    %dma_wait3A_128 = tpu.memref_slice %arg6[%dma_wait3A_125, %dma_wait3A_126, %dma_wait3A_127] : memref<2x64x256xf32, #tpu.memory_space<vmem>> -> memref<1x64x256xf32, #tpu.memory_space<vmem>>
    %dma_wait3A_129 = tpu.memref_squeeze %dma_wait3A_128 : memref<1x64x256xf32, #tpu.memory_space<vmem>> -> memref<64x256xf32, #tpu.memory_space<vmem>>
    %dma_wait3A_130 = tpu.memref_slice %arg4[%add3A_124, %mul3A_34] : memref<65536x1024xf32, #tpu.memory_space<hbm>> -> memref<64x256xf32, #tpu.memory_space<hbm>>
    %dma_wait3A_131 = tpu.memref_slice %arg4[%add3A_124, %mul3A_34] : memref<65536x1024xf32, #tpu.memory_space<hbm>> -> memref<64x256xf32, #tpu.memory_space<hbm>>
    %dma_wait3A_132 = arith.constant 0 : i32
    %dma_wait3A_133 = arith.constant 0 : i32
    %dma_wait3A_134 = tpu.memref_slice %arg6[%dma_wait3A_125, %dma_wait3A_132, %dma_wait3A_133] : memref<2x64x256xf32, #tpu.memory_space<vmem>> -> memref<1x64x256xf32, #tpu.memory_space<vmem>>
    %dma_wait3A_135 = tpu.memref_squeeze %dma_wait3A_134 : memref<1x64x256xf32, #tpu.memory_space<vmem>> -> memref<64x256xf32, #tpu.memory_space<vmem>>
    tpu.wait_dma2 semaphore(%arg9 : memref<!tpu.dma_semaphore, #tpu.memory_space<semaphore_mem>>) src(%dma_wait3A_135 : memref<64x256xf32, #tpu.memory_space<vmem>>) dst(%dma_wait3A_131 : memref<64x256xf32, #tpu.memory_space<hbm>>)
    %add3A_136 = arith.constant 8128 : i32
    %add3A_137 = arith.addi %mul3A_32, %add3A_136 : i32
    %dma_wait3A_138 = arith.constant 1 : i32
    %dma_wait3A_139 = arith.constant 0 : i32
    %dma_wait3A_140 = arith.constant 0 : i32
    %dma_wait3A_141 = tpu.memref_slice %arg6[%dma_wait3A_138, %dma_wait3A_139, %dma_wait3A_140] : memref<2x64x256xf32, #tpu.memory_space<vmem>> -> memref<1x64x256xf32, #tpu.memory_space<vmem>>
    %dma_wait3A_142 = tpu.memref_squeeze %dma_wait3A_141 : memref<1x64x256xf32, #tpu.memory_space<vmem>> -> memref<64x256xf32, #tpu.memory_space<vmem>>
    %dma_wait3A_143 = tpu.memref_slice %arg4[%add3A_137, %mul3A_34] : memref<65536x1024xf32, #tpu.memory_space<hbm>> -> memref<64x256xf32, #tpu.memory_space<hbm>>
    %dma_wait3A_144 = tpu.memref_slice %arg4[%add3A_137, %mul3A_34] : memref<65536x1024xf32, #tpu.memory_space<hbm>> -> memref<64x256xf32, #tpu.memory_space<hbm>>
    %dma_wait3A_145 = arith.constant 0 : i32
    %dma_wait3A_146 = arith.constant 0 : i32
    %dma_wait3A_147 = tpu.memref_slice %arg6[%dma_wait3A_138, %dma_wait3A_145, %dma_wait3A_146] : memref<2x64x256xf32, #tpu.memory_space<vmem>> -> memref<1x64x256xf32, #tpu.memory_space<vmem>>
    %dma_wait3A_148 = tpu.memref_squeeze %dma_wait3A_147 : memref<1x64x256xf32, #tpu.memory_space<vmem>> -> memref<64x256xf32, #tpu.memory_space<vmem>>
    tpu.wait_dma2 semaphore(%arg10 : memref<!tpu.dma_semaphore, #tpu.memory_space<semaphore_mem>>) src(%dma_wait3A_148 : memref<64x256xf32, #tpu.memory_space<vmem>>) dst(%dma_wait3A_144 : memref<64x256xf32, #tpu.memory_space<hbm>>)
    return
  }
}

</mosaic_0001>

<sc_bundles>
// kernel: _emb_call.3.cloned.1.call-start
scs
__scs_entry_jumppad:
0x0: {  	(pc) =	sbr.rel $0x88, $3  }
0x1: {  	(tag) =	ssettag $0x0;
	lr =	simm.s32 $0x1  }
0x2: {  	[smem:$0x3F9F] =	sst lr;
	_ =	strace $0xD0000000  }
0x3: {  	_ = 	snop  }
0x4: {  	_ = 	snop  }
0x5: {  	_ = 	snop  }
0x6: {  	_ = 	snop  }
0x7: {  	_ = 	snop  }
__scs_overlays_trampoline_lowered:
0x8: {  	[smem:$0x3FAE] =	sst s0  }
0x9: {  	[smem:$0x3FAF] =	sst s1  }
0xa: {  	[smem:$0x3FB0] =	sst s2  }
0xb: {  	[smem:$0x3FB1] =	sst s3  }
0xc: {  	[smem:$0x3FB2] =	sst s4  }
0xd: {  	[smem:$0x3FB3] =	sst s5  }
0xe: {  	[smem:$0x3FB4] =	sst s6  }
0xf: {  	[smem:$0x3FB5] =	sst s7  }
0x10: {  	[smem:$0x3FB6] =	sst s8  }
0x11: {  	[smem:$0x3FB7] =	sst s9;
	s0 =	simm.s32 @!p0 $0x0  }
0x12: {  	s1 =	sld [smem:$0x3F9D];
	s0 =	simm.s32 @p0 $0x1  }
0x13: {  	[smem:$0x3FB8] =	sst s0;
	s0 =	simm.s32 @!p1 $0x0  }
0x14: {  	s2 =	sld [smem:$0x3F9C];
	s0 =	simm.s32 @p1 $0x1  }
0x15: {  	[smem:$0x3FB9] =	sst s0;
	s0 =	simm.s32 @!p2 $0x0  }
0x16: {  	s3 =	sld [smem:$0x3FDB];
	s0 =	simm.s32 @p2 $0x1  }
0x17: {  	s4 =	simm.s32 $0x1BF5;
	[smem:$0x3FBB] =	sst s0  }
0x18: {  	s0 =	sld [smem:$0x3F9E];
	_ =	swait.ge [sflag:s4], $0x0  }
0x19: {  	s7 =	sld [smem:$0x3F9F]  }
0x1a: {  	s8 =	sadd.s32 $0xFFFFE003, lr  }
0x1b: {  	s9 =	sadd.s32 $0xFFFFFEF7, lr;
	s5 =	simm.s32 $0xFFFFFFFF;
	p2 =	slt.u32 s8, $0xFFFFF086  }
0x1c: {  	p1 =	slt.u32 s9, $0xF7A;
	s5 =	simm.s32 @!p2 $0x0  }
0x1d: {  	s5 =	simm.s32 @p1 $0x1;
	p0 =	seq.s32 s7, s2  }
0x1e: {  	s7 =	smul.u32 @!p0 $0xF7A, s2;
	p2 =	seq.s32 @!p0 s5, $0x0  }
0x1f: {  	s9 =	smul.u32 $0xF7A, s1;
	s8 =	simm.s32 @!p0 $0x1BF5;
	p2 =	por !p2, p0  }
0x20: {  	[sflag:s8] =	ssyncset.s32 @!p0 $0xFFFFF086;
	s6 =	sadd.s32 @!p0 s3, s7;
	s7 =	simm.s32 @!p0 $0x108  }
0x21: {  	s3 =	sadd.s32 s3, s9;
	s6 =	sadd.s32 @!p0 $0x88, s6;
	s7 =	simm.s32 @p2 $0x1082  }
0x22: {  	[simem:s7], [sflag:s8] =	dma.local @!p0 [hbm:s6], $0xF7A  }
0x23: {  	s9 =	sor.u32 $0xD0000000, s2;
	s6 =	simm.s32 $0x108;
	_ =	swait.ge @!p0 [sflag:s8], $0x0  }
0x24: {  	s3 =	sadd.s32 $0x88, s3;
	s6 =	simm.s32 @!p1 $0x1082;
	[sflag:s4] =	ssyncset.s32 $0xFFFFF086  }
0x25: {  	[simem:s6], [sflag:s4] =	dma.local [hbm:s3], $0xF7A  }
0x26: {  	[smem:$0x3F9F] =	sst s1;
	(tag) =	ssettag s2;
	_ =	strace s9  }
0x27: {  	s1 =	sld [smem:$0x3FAF]  }
0x28: {  	s2 =	sld [smem:$0x3FB0]  }
0x29: {  	s4 =	sld [smem:$0x3FB2]  }
0x2a: {  	p0 =	seq.s32 s5, $0x0;
	s5 =	sld [smem:$0x3FB3]  }
0x2b: {  	s6 =	sld [smem:$0x3FB4]  }
0x2c: {  	s7 =	sld [smem:$0x3FB5]  }
0x2d: {  	s3 =	simm.s32 $0x108;
	s8 =	sld [smem:$0x3FB6]  }
0x2e: {  	s3 =	simm.s32 @!p0 $0x1082;
	s9 =	sld [smem:$0x3FB7]  }
0x2f: {  	lr =	sadd.s32 s0, s3;
	s0 =	sld [smem:$0x3FAE]  }
0x30: {  	s3 =	sld [smem:$0x3FB1]  }
0x31: {  	[smem:$0x3FBA] =	sst s10  }
0x32: {  	s10 =	sld [smem:$0x3FB8];
	_ =	sdelay $0x3  }
0x33: {  	p0 =	seq.s32 s10, $0x1;
	s10 =	sld [smem:$0x3FBA];
	_ =	sdelay $0x3  }
0x34: {  	[smem:$0x3FBA] =	sst s10  }
0x35: {  	s10 =	sld [smem:$0x3FB9];
	_ =	sdelay $0x3  }
0x36: {  	p1 =	seq.s32 s10, $0x1;
	s10 =	sld [smem:$0x3FBA];
	_ =	sdelay $0x3  }
0x37: {  	[smem:$0x3FBA] =	sst s10  }
0x38: {  	s10 =	sld [smem:$0x3FBB]  }
0x39: {  	_ = 	snop;
	(pc) =	sbr.ind lr, $3  }
0x3a: {  	_ = 	snop  }
0x3b: {  	_ = 	snop  }
0x3c: {  	p2 =	seq.s32 s10, $0x1;
	s10 =	sld [smem:$0x3FBA]  }
0x3d: {  	_ =	shalt  }
0x3e: {  	_ =	shalt  }
0x3f: {  	_ =	shalt  }
0x40: {  	_ =	shalt  }
0x41: {  	_ =	shalt  }
0x42: {  	_ =	shalt  }
0x43: {  	_ =	shalt  }
0x44: {  	_ =	shalt  }
0x45: {  	_ =	shalt  }
0x46: {  	_ =	shalt  }
0x47: {  	_ =	shalt  }
0x48: {  	_ =	shalt  }
0x49: {  	_ =	shalt  }
0x4a: {  	_ =	shalt  }
0x4b: {  	_ =	shalt  }
0x4c: {  	_ =	shalt  }
0x4d: {  	_ =	shalt  }
0x4e: {  	_ =	shalt  }
0x4f: {  	_ =	shalt  }
0x50: {  	_ =	shalt  }
0x51: {  	_ =	shalt  }
0x52: {  	_ =	shalt  }
0x53: {  	_ =	shalt  }
0x54: {  	_ =	shalt  }
0x55: {  	_ =	shalt  }
0x56: {  	_ =	shalt  }
0x57: {  	_ =	shalt  }
0x58: {  	_ =	shalt  }
0x59: {  	_ =	shalt  }
0x5a: {  	_ =	shalt  }
0x5b: {  	_ =	shalt  }
0x5c: {  	_ =	shalt  }
0x5d: {  	_ =	shalt  }
0x5e: {  	_ =	shalt  }
0x5f: {  	_ =	shalt  }
0x60: {  	_ =	shalt  }
0x61: {  	_ =	shalt  }
0x62: {  	_ =	shalt  }
0x63: {  	_ =	shalt  }
0x64: {  	_ =	shalt  }
0x65: {  	_ =	shalt  }
0x66: {  	_ =	shalt  }
0x67: {  	_ =	shalt  }
0x68: {  	_ =	shalt  }
0x69: {  	_ =	shalt  }
0x6a: {  	_ =	shalt  }
0x6b: {  	_ =	shalt  }
0x6c: {  	_ =	shalt  }
0x6d: {  	_ =	shalt  }
0x6e: {  	_ =	shalt  }
0x6f: {  	_ =	shalt  }
0x70: {  	_ =	shalt  }
0x71: {  	_ =	shalt  }
0x72: {  	_ =	shalt  }
0x73: {  	_ =	shalt  }
0x74: {  	_ =	shalt  }
0x75: {  	_ =	shalt  }
0x76: {  	_ =	shalt  }
0x77: {  	_ =	shalt  }
0x78: {  	_ =	shalt  }
0x79: {  	_ =	shalt  }
0x7a: {  	_ =	shalt  }
0x7b: {  	_ =	shalt  }
0x7c: {  	_ =	shalt  }
0x7d: {  	_ =	shalt  }
0x7e: {  	_ =	shalt  }
0x7f: {  	_ =	shalt  }
0x80: {  	_ =	shalt  }
0x81: {  	_ =	shalt  }
0x82: {  	_ =	shalt  }
0x83: {  	_ =	shalt  }
0x84: {  	_ =	shalt  }
0x85: {  	_ =	shalt  }
0x86: {  	_ =	shalt  }
0x87: {  	_ =	shalt  }
.Lfunc_end0:
.L_simem_size_0:
called_computation_lowered:
.L_overlay_start_0:
0x88: {  	s2 =	sld [smem:$0x3FD9]  }
0x89: {  	s3 =	sld [smem:$0x3FFE];
	_ =	sdelay $0x1  }
0x8a: {  	s1 =	srdreg.scid  }
0x8b: {  	s0 =	sand.u32 $0x1, s1  }
0x8c: {  	s18 =	sshll.u32 s0, $0xA;
	s2 =	sadd.s32 s3, s2  }
0x8d: {  	s2 =	sadd.s32 s2, s18  }
0x8e: {  	[smem:$0x3FC6] =	sst s2  }
0x8f: {  	_ = 	snop  }
0x90: {  	s2 =	sld [smem:$0x3FC9]  }
0x91: {  	s19 =	sld [smem:$0x3FC8]  }
0x92: {  	s4 =	sld [smem:$0x3FD0];
	(tm) =	ssettm $0x1  }
0x93: {  	s5 =	sld [smem:$0x3FFB];
	_ =	sdelay $0x3  }
0x94: {  	_ =	strace s5  }
0x95: {  	s5 =	sld [smem:$0x3FFC];
	_ =	sdelay $0x3  }
0x96: {  	_ =	strace s5  }
0x97: {  	s5 =	sld [smem:$0x3FFD];
	_ =	sdelay $0x3  }
0x98: {  	_ =	strace s5  }
0x99: {  	_ =	strace $0x8FFFFFFF  }
0x9a: {  	s20 =	sld [smem:$0x3FDB];
	_ =	sdelay $0x1  }
0x9b: {  	s6 =	simm.s32 $_scs_section_size  }
0x9c: {  	s7 =	simm.s32 $_size__tile_overlayer_lowered;
	s8 =	simm.s32 $_tile_overlayer_lowered  }
0x9d: {  	s23 =	simm.s32 $0x1BFF;
	s22 =	sshll.u32 s8, $0x1;
	s5 =	sadd.s32 s6, s20  }
0x9e: {  	s9 =	simm.s32 $0x0;
	s21 =	sshll.u32 s7, $0x1;
	s7 =	sadd.s32 s22, s5  }
0x9f: {  	[timem:s9], [sflag:s23] =	dma.local [hbm:s7], s21  }
0xa0: {  	_ =	swait.ge [sflag:s23], s21  }
0xa1: {  	s6 =	ssub.s32 $0x0, s21;
	[sflag:s23] =	ssyncset.done $0x0  }
0xa2: {  	[sflag:s23] =	ssyncadd.s32 s6;
	_ =	sdelay $0x1  }
0xa3: {  	s24 =	simm.s32 $0x1B8B  }
0xa4: {  	_ =	swait.ge [sflag:s24], $0x1  }
0xa5: {  	[sflag:s24] =	ssyncset.done $0x0  }
0xa6: {  	s25 =	simm.s32 $0x1B8E;
	[sflag:s24] =	ssyncadd.s32 $0xFFFFFFFF  }
0xa7: {  	s26 =	simm.s32 $execute0_lowered;
	[smem:$0x3FD2] =	sst s25  }
0xa8: {  	s6 =	sshll.u32 s26, $0x1;
	_ =	strace $0x80000046;
	[dreg:$0x1] =	wrdreg $0xFFFFFFFF  }
0xa9: {  	s28 =	simm.s32 $_size_execute0_lowered;
	s5 =	sadd.s32 s5, s6;
	[dreg:$0x0] =	wrdreg $0x0  }
0xaa: {  	s6 =	sshll.u32 s28, $0x1;
	[dreg:$0x2] =	wrdreg s5  }
0xab: {  	[dreg:$0x3] =	wrdreg s6  }
0xac: {  	[dreg:$0x4] =	wrdreg $0xC0  }
0xad: {  	_ =	task [dreg:s9], $0x5FFFF  }
0xae: {  	[dreg:$0x1] =	wrdreg $0xFFFFFFFF  }
0xaf: {  	[dreg:$0x0] =	wrdreg $0x60  }
0xb0: {  	[dreg:$0x2] =	wrdreg s2  }
0xb1: {  	[dreg:$0x3] =	wrdreg s19  }
0xb2: {  	[dreg:$0x4] =	wrdreg s4  }
0xb3: {  	[dreg:$0x5] =	wrdreg $0x9  }
0xb4: {  	_ =	task.clear_ibuf [dreg:s9], $0x6FFFF;
	_ =	strace $0x90000046  }
0xb5: {  	s29 =	simm.s32 $0x9;
	_ =	strace $0x80000048  }
0xb6: {  	_ =	swait.ge [sflag:s29], $0x1  }
0xb7: {  	[sflag:s29] =	ssyncadd.s32 $0xFFFFFFFF  }
0xb8: {  	_ =	strace $0x90000048  }
0xb9: {  	_ =	sfence  }
0xba: {  	s30 =	sld [smem:$0x0];
	_ =	sdelay $0x2  }
0xbb: {  	s31 =	sshll.u32 s1, $0xD;
	s1 =	sshrl.u32 s1, $0x2  }
0xbc: {  	s3 =	sand.u32 $0x4000, s31;
	s1 =	sadd.s32 s1, s30  }
0xbd: {  	s0 =	sor.u32 s3, s0;
	s1 =	sshll.u32 s1, $0x11  }
0xbe: {  	s0 =	sor.u32 s1, s0  }
0xbf: {  	s0 =	sadd.s32 $0x8F2B, s0  }
0xc0: {  	[sflag:s0] =	ssyncadd.remote.s32 $0x1  }
0xc1: {  	_ =	sfence.sel $0xFFFF  }
0xc2: {  	[dreg:$0x0] =	wrdreg $0xFFFFFFFF;
	(pc) =	sbr.abs _section_cstart, $3  }
0xc3: {  	[dreg:$0x1] =	wrdreg $0xFFFFFFFF  }
0xc4: {  	_ =	task.clear_ibuf [dreg:s9], $0x2FFFF;
	_ =	strace $0x9FFFFFFF  }
0xc5: {  	(tm) =	ssettm $0x7FFFFFFF  }
tec
execute0_lowered:
.L_overlay_start_1:
0x0: {  	(tag) =	ssettag $0x1  }
0x1: {  	s0 =	rddreg [dreg:$0x0]  }
0x2: {  	s1 =	rddreg [dreg:$0x1];
	s2 =	srdreg.scid  }
0x3: {  	s4 =	rddreg [dreg:$0x2];
	s8 =	stileid.u32;
	s10 =	simm.s32 $0x1  }
0x4: {  	s17 =	simm.s32 $0x0;
	s5 =	sand.u32 $0x1, s2;
	s2 =	simm.s32 $0x0  }
0x5: {  	s26 =	sshll.u32 s8, $0x1;
	s28 =	sshll.u32 s8, $0xC;
	s8 =	sand.u32 $0x1, s8  }
0x6: {  	s3 =	ssub.s32 $0x2, s5;
	[smem:$0x7FF] =	sst s2;
	s7 =	sand.u32 $0x2, s26  }
0x7: {  	s12 =	sand.u32 $0xE000, s28;
	s8 =	sshll.u32 s8, $0x9;
	s9 =	sshll.u32 s5, $0x8  }
0x8: {  	v0 =	vlaneseq.u32;
	s6 =	sshrl.u32 s3, $0x1;
	_ =	strace $0x80000047;
	s5 =	sor.u32 s5, s7  }
0x9: {  	v1 =	vor.u32 $0x10, v0;
	v2 =	vor.u32 $0x20, v0;
	v3 =	vor.u32 $0x30, v0;
	s29 =	sshrl.u32 s12, $0x3;
	s8 =	sor.u32 s9, s8;
	[dreg:$0x4] =	wrdreg s12  }
0xa: {  	v4 =	vor.u32 $0x40, v0;
	v5 =	vor.u32 $0x50, v0;
	v6 =	vor.u32 $0x60, v0;
	s6 =	ssub.s32 s3, s6;
	s5 =	sshll.u32 s5, $0x8;
	s0 =	sadd.s32 s0, s29  }
0xb: {  	v7 =	vor.u32 $0x70, v0;
	v8 =	vor.u32 $0x80, v0;
	v9 =	vor.u32 $0x90, v0;
	s30 =	sshrl.u32 s8, $0x3;
	[dreg:$0x5] =	wrdreg s0;
	s31 =	smax.u32 s6, $0x1  }
0xc: {  	v10 =	vor.u32 $0xA0, v0;
	v11 =	vor.u32 $0xB0, v0;
	v12 =	vor.u32 $0xC0, v0;
	s3 =	simm.s32 $0x2;
	s13 =	sadd.s32 s4, s5;
	[dreg:$0x7] =	wrdreg s31  }
0xd: {  	v13 =	vor.u32 $0xD0, v0;
	v14 =	vor.u32 $0xE0, v0;
	v15 =	vor.u32 $0xF0, v0;
	s7 =	sadd.s32 s30, s1;
	s4 =	simm.s32 $0x0;
	[dreg:$0x6] =	wrdreg s13  }
.LBB2_1:
0xe: {  	[dreg:$0x8] =	wrdreg s4  }
0xf: {  	s0 =	rddreg [dreg:$0x5];
	s1 =	simm.s32 $0x18100;
	s6 =	sadd.s32 $0x0, s7  }
0x10: {  	[tilespmem:s1], [sflag:$0x2] =	stream.linear.gather [hbm4b:s0+s2], $0x2000, $0x38;
	[tilespmem:$0x1A100] =	vst v63  }
0x11: {  	s4 =	simm.s32 $0x0;
	s0 =	simm.s32 $0x80;
	s1 =	simm.s32 $0x100  }
.LBB2_2:
0x12: {  	[tilespmem:s4], [sflag:$0x1] =	stream.linear.gather [hbm4b:s6+s2], $0x100, $0x38;
	[tilespmem:$0x1A100] =	vst v63  }
0x13: {  	s6 =	smov.u32 s0;
	s4 =	smov.u32 s1;
	p0 =	sne.s32 s0, $0x8000  }
.Ltmp0:
0x14: {  	s0 =	sadd.s32 $0x80, s0;
	(pc) =	sbr.rel @p0 .LBB2_2-.Ltmp0, $2  }
0x15: {  	_ =	sdelay $0x2  }
0x16: {  	s1 =	sadd.s32 $0x100, s1;
	s6 =	sadd.s32 s6, s7  }
0x17: {  	[tilespmem:s4], [sflag:$0x1] =	stream.linear.gather [hbm4b:s6+s2], $0x100, $0x38;
	[tilespmem:$0x1A100] =	vst v63  }
0x18: {  	_ =	swait.ge [sflag:s3], $0x2000  }
0x19: {  	[sflag:s3] =	ssyncset.done $0x0  }
0x1a: {  	s0 =	simm.s32 $0x0;
	s1 =	simm.s32 $0x40;
	[sflag:s3] =	ssyncadd.s32 $0xFFFFE000  }
.LBB2_4:
0x1b: {  	p0 =	sne.s32 s1, $0x7FC0;
	v16 =	vld [tilespmem:s0+$0x18100];
	_ =	sdelay $0x4  }
0x1c: {  	vm0 =	vgt.s32 v16, $0xFFFFFF80  }
0x1d: {  	v16 =	vnsel vm0, $0xFFFFFF80, v16  }
.Ltmp1:
0x1e: {  	vm0 =	vlt.s32 v16, $0x80;
	(pc) =	sbr.rel @p0 .LBB2_4-.Ltmp1, $4  }
0x1f: {  	v16 =	vnsel vm0, $0x80, v16  }
0x20: {  	v16 =	vshll.u32 v16, $0x8  }
0x21: {  	v16 =	vadd.s32 $0x8000, v16  }
0x22: {  	[tilespmem:s0+$0x18100] =	vst v16;
	s0 =	sshra.s32 s1, $0x2;
	s1 =	sadd.s32 $0x40, s1  }
0x23: {  	v16 =	vld [tilespmem:s0+$0x18100];
	_ =	sdelay $0x4  }
0x24: {  	vm0 =	vgt.s32 v16, $0xFFFFFF80  }
0x25: {  	v16 =	vnsel vm0, $0xFFFFFF80, v16  }
0x26: {  	vm0 =	vlt.s32 v16, $0x80  }
0x27: {  	v16 =	vnsel vm0, $0x80, v16  }
0x28: {  	v16 =	vshll.u32 v16, $0x8  }
0x29: {  	v16 =	vadd.s32 $0x8000, v16  }
0x2a: {  	[tilespmem:s0+$0x18100] =	vst v16  }
0x2b: {  	_ =	swait.ge [sflag:s10], $0x100  }
0x2c: {  	s0 =	simm.s32 $0x100;
	[sflag:s10] =	ssyncset.done $0x0  }
.LBB2_6:
0x2d: {  	p0 =	sne.s32 s0, $0x1;
	s0 =	sadd.s32 $0xFFFFFFFF, s0;
	[sflag:s10] =	ssyncadd.s32 $0xFFFFFF00  }
.Ltmp2:
0x2e: {  	(pc) =	sbr.rel @p0 .LBB2_6-.Ltmp2, $3  }
0x2f: {  	_ =	sdelay $0x1  }
0x30: {  	_ =	swait.ge [sflag:s10], $0x100  }
0x31: {  	[sflag:s10] =	ssyncset.done $0x0  }
0x32: {  	[sflag:s10] =	ssyncadd.s32 $0xFFFFFF00;
	s18 =	simm.s32 $0x0  }
.LBB2_8:
0x33: {  	s19 =	sshll.u32 s18, $0x7  }
0x34: {  	s0 =	sadd.s32 $0x18100, s19  }
0x35: {  	p0 =	seq.s32 s18, $0x0;
	v24 =	vmov s0  }
0x36: {  	s0 =	simm.s32 @!p0 $0x2  }
0x37: {  	_ =	swait.ge @!p0 [sflag:s0], $0x4000  }
0x38: {  	s1 =	simm.s32 $0x0;
	[sflag:s0] =	ssyncset.done @!p0 $0x0  }
0x39: {  	s15 =	sand.u32 $0x30, s1;
	[sflag:s0] =	ssyncadd.s32 @!p0 $0xFFFFC000  }
0x3a: {  	v17 =	vld.idx.msk [tilespmem:v24+s15+$0x0 ss:$0x1], $0xffff;
	_ =	sdelay $0x1  }
0x3b: {  	s16 =	simm.s32 $0x2  }
0x3c: {  	s0 =	sand.u32 $0xE, s16  }
0x3d: {  	v16 =	vmov s0  }
0x3e: {  	s20 =	simm.s32 $0x1;
	s4 =	simm.s32 $0x3;
	v18 =	vperm.xlane v17, v16  }
0x3f: {  	s0 =	sand.u32 $0xD, s20;
	v16 =	vmov s4  }
0x40: {  	v19 =	vmov s0;
	v16 =	vperm.xlane v17, v16;
	v20 =	vadd.s32 v0, v18  }
0x41: {  	v23 =	vperm.xlane v17, v19  }
0x42: {  	v19 =	vadd.s32 v0, v16  }
0x43: {  	v21 =	vadd.s32 v0, v23;
	_ =	sdelay $0x1  }
0x44: {  	v20 =	vld.idx.msk [tilespmem:v20+s2+$0x0], $0xffff  }
0x45: {  	s21 =	sand.u32 $0xC, s1;
	v22 =	vadd.s32 v1, v18  }
0x46: {  	s22 =	sand.u32 $0x3800, s17;
	s23 =	simm.s32 $0x100;
	v25 =	vmov s21;
	v19 =	vld.idx.msk [tilespmem:v19+s2+$0x0], $0xffff  }
0x47: {  	s6 =	sor.u32 $0x10100, s22;
	s24 =	sand.u32 $0x300, s23;
	v17 =	vperm.xlane v17, v25;
	v25 =	vadd.s32 v1, v16;
	v21 =	vld.idx.msk [tilespmem:v21+s2+$0x0], $0xffff  }
0x48: {  	s25 =	simm.s32 $0x180;
	s0 =	sadd.s32 s24, s6;
	v26 =	vadd.s32 v1, v23  }
0x49: {  	s26 =	simm.s32 $0x80;
	s1 =	sand.u32 $0x380, s25;
	v27 =	vadd.s32 v0, v17;
	[tilespmem:s0+$0x0] =	vst v20  }
0x4a: {  	s1 =	sadd.s32 s1, s6;
	s4 =	sand.u32 $0x280, s26;
	v20 =	vld.idx.msk [tilespmem:v22+s2+$0x0], $0xffff  }
0x4b: {  	s4 =	sor.u32 s4, s6;
	v22 =	vadd.s32 v2, v18;
	[tilespmem:s1+$0x0] =	vst v19  }
0x4c: {  	[tilespmem:s4+$0x0] =	vst v21;
	v19 =	vld.idx.msk [tilespmem:v25+s2+$0x0], $0xffff  }
0x4d: {  	v21 =	vadd.s32 v2, v16;
	v25 =	vld.idx.msk [tilespmem:v26+s2+$0x0], $0xffff  }
0x4e: {  	v26 =	vld.idx.msk [tilespmem:v27+s2+$0x0], $0xffff;
	v27 =	vadd.s32 v2, v23  }
0x4f: {  	v28 =	vadd.s32 v1, v17;
	[tilespmem:s0+$0x10] =	vst v20  }
0x50: {  	s8 =	simm.s32 $0x0;
	v20 =	vld.idx.msk [tilespmem:v22+s2+$0x0], $0xffff  }
0x51: {  	s8 =	sand.u32 $0x200, s8;
	v22 =	vadd.s32 v3, v18;
	[tilespmem:s1+$0x10] =	vst v19  }
0x52: {  	s9 =	sor.u32 s8, s6;
	[tilespmem:s4+$0x10] =	vst v25;
	v19 =	vld.idx.msk [tilespmem:v21+s2+$0x0], $0xffff  }
0x53: {  	[tilespmem:s9+$0x0] =	vst v26;
	v21 =	vadd.s32 v3, v16;
	v25 =	vld.idx.msk [tilespmem:v27+s2+$0x0], $0xffff  }
0x54: {  	v26 =	vld.idx.msk [tilespmem:v28+s2+$0x0], $0xffff;
	v27 =	vadd.s32 v3, v23  }
0x55: {  	v28 =	vadd.s32 v2, v17;
	[tilespmem:s0+$0x20] =	vst v20  }
0x56: {  	v20 =	vld.idx.msk [tilespmem:v22+s2+$0x0], $0xffff  }
0x57: {  	v22 =	vadd.s32 v4, v18;
	[tilespmem:s1+$0x20] =	vst v19  }
0x58: {  	[tilespmem:s4+$0x20] =	vst v25;
	v19 =	vld.idx.msk [tilespmem:v21+s2+$0x0], $0xffff  }
0x59: {  	[tilespmem:s9+$0x10] =	vst v26;
	v21 =	vadd.s32 v4, v16;
	v25 =	vld.idx.msk [tilespmem:v27+s2+$0x0], $0xffff  }
0x5a: {  	v26 =	vadd.s32 v4, v23;
	v27 =	vld.idx.msk [tilespmem:v28+s2+$0x0], $0xffff  }
0x5b: {  	v28 =	vadd.s32 v3, v17;
	[tilespmem:s0+$0x30] =	vst v20  }
0x5c: {  	v20 =	vld.idx.msk [tilespmem:v22+s2+$0x0], $0xffff  }
0x5d: {  	v22 =	vadd.s32 v5, v18;
	[tilespmem:s1+$0x30] =	vst v19  }
0x5e: {  	[tilespmem:s4+$0x30] =	vst v25;
	v19 =	vld.idx.msk [tilespmem:v21+s2+$0x0], $0xffff  }
0x5f: {  	[tilespmem:s9+$0x20] =	vst v27;
	v25 =	vadd.s32 v5, v16;
	v21 =	vld.idx.msk [tilespmem:v26+s2+$0x0], $0xffff  }
0x60: {  	v27 =	vadd.s32 v5, v23;
	v26 =	vld.idx.msk [tilespmem:v28+s2+$0x0], $0xffff  }
0x61: {  	v28 =	vadd.s32 v4, v17;
	[tilespmem:s0+$0x40] =	vst v20  }
0x62: {  	v20 =	vld.idx.msk [tilespmem:v22+s2+$0x0], $0xffff  }
0x63: {  	v22 =	vadd.s32 v6, v18;
	[tilespmem:s1+$0x40] =	vst v19  }
0x64: {  	[tilespmem:s4+$0x40] =	vst v21;
	v19 =	vld.idx.msk [tilespmem:v25+s2+$0x0], $0xffff  }
0x65: {  	s29 =	simm.s32 $0x4;
	[tilespmem:s9+$0x30] =	vst v26;
	v21 =	vld.idx.msk [tilespmem:v27+s2+$0x0], $0xffff;
	v25 =	vadd.s32 v6, v16  }
0x66: {  	s3 =	sand.u32 $0x30, s29;
	v26 =	vld.idx.msk [tilespmem:v28+s2+$0x0], $0xffff;
	v27 =	vadd.s32 v6, v23  }
0x67: {  	v29 =	vld.idx.msk [tilespmem:v24+s3+$0x0 ss:$0x1], $0xffff;
	v28 =	vadd.s32 v5, v17;
	[tilespmem:s0+$0x50] =	vst v20  }
0x68: {  	v22 =	vld.idx.msk [tilespmem:v22+s2+$0x0], $0xffff  }
0x69: {  	s5 =	simm.s32 $0x6;
	[tilespmem:s1+$0x50] =	vst v19;
	v19 =	vadd.s32 v7, v18  }
0x6a: {  	s6 =	sand.u32 $0xE, s5;
	[tilespmem:s4+$0x50] =	vst v21;
	v25 =	vld.idx.msk [tilespmem:v25+s2+$0x0], $0xffff  }
0x6b: {  	v20 =	vmov s6;
	[tilespmem:s9+$0x40] =	vst v26;
	v21 =	vadd.s32 v7, v16;
	v26 =	vld.idx.msk [tilespmem:v27+s2+$0x0], $0xffff  }
0x6c: {  	s11 =	simm.s32 $0x7;
	s8 =	simm.s32 $0x5;
	v20 =	vperm.xlane v29, v20;
	v27 =	vld.idx.msk [tilespmem:v28+s2+$0x0], $0xffff;
	v28 =	vadd.s32 v7, v23  }
0x6d: {  	v30 =	vadd.s32 v6, v17;
	s6 =	sand.u32 $0xD, s8;
	[tilespmem:s0+$0x60] =	vst v22;
	v22 =	vmov s11  }
0x6e: {  	v32 =	vmov s6;
	v33 =	vadd.s32 v0, v20;
	v31 =	vld.idx.msk [tilespmem:v19+s2+$0x0], $0xffff;
	v19 =	vperm.xlane v29, v22  }
0x6f: {  	s13 =	sand.u32 $0xC, s29;
	[tilespmem:s1+$0x60] =	vst v25;
	v25 =	vadd.s32 v8, v18;
	v22 =	vperm.xlane v29, v32  }
0x70: {  	v45 =	vmov s13;
	[tilespmem:s4+$0x60] =	vst v26;
	v34 =	vld.idx.msk [tilespmem:v21+s2+$0x0], $0xffff;
	v26 =	vadd.s32 v0, v19  }
0x71: {  	[tilespmem:s9+$0x50] =	vst v27;
	v28 =	vld.idx.msk [tilespmem:v28+s2+$0x0], $0xffff;
	v21 =	vperm.xlane v29, v45;
	v27 =	vadd.s32 v0, v22  }
0x72: {  	v29 =	vld.idx.msk [tilespmem:v30+s2+$0x0], $0xffff;
	v30 =	vadd.s32 v8, v23  }
0x73: {  	v46 =	vld.idx.msk [tilespmem:v33+s2+$0x0], $0xffff;
	[tilespmem:s0+$0x70] =	vst v31;
	v31 =	vadd.s32 v0, v21  }
0x74: {  	v47 =	vadd.s32 v1, v20;
	s0 =	simm.s32 $0x400;
	v25 =	vld.idx.msk [tilespmem:v25+s2+$0x0], $0xffff  }
0x75: {  	s15 =	simm.s32 $0x300;
	v35 =	vadd.s32 v7, v17;
	s14 =	sand.u32 $0x3800, s0;
	v26 =	vld.idx.msk [tilespmem:v26+s2+$0x0], $0xffff  }
0x76: {  	s16 =	sand.u32 $0x300, s15;
	[tilespmem:s4+$0x70] =	vst v28;
	v28 =	vadd.s32 v1, v19;
	v27 =	vld.idx.msk [tilespmem:v27+s2+$0x0], $0xffff;
	s14 =	sor.u32 $0x10100, s14  }
0x77: {  	s13 =	sand.u32 $0x7, s17;
	s8 =	simm.s32 $0x380;
	v48 =	vadd.s32 v1, v22;
	[tilespmem:s1+$0x70] =	vst v34;
	v30 =	vld.idx.msk [tilespmem:v30+s2+$0x0], $0xffff;
	s6 =	sadd.s32 s16, s14  }
0x78: {  	s21 =	simm.s32 $0x280;
	s20 =	sshll.u32 s13, $0x7;
	v36 =	vadd.s32 v9, v23;
	s15 =	sand.u32 $0x380, s8;
	[tilespmem:s6+$0x0] =	vst v46;
	v31 =	vld.idx.msk [tilespmem:v31+s2+$0x0], $0xffff  }
0x79: {  	s22 =	sand.u32 $0x280, s21;
	s13 =	sadd.s32 $0x0, s20;
	[tilespmem:s9+$0x60] =	vst v29;
	v29 =	vadd.s32 v1, v21;
	s4 =	sadd.s32 s15, s14;
	v32 =	vld.idx.msk [tilespmem:v47+s2+$0x0], $0xffff  }
0x7a: {  	s23 =	simm.s32 $0x200;
	s30 =	sadd.s32 $0x80, s13;
	v50 =	vadd.s32 v2, v20;
	v49 =	vld.idx.msk [tilespmem:v35+s2+$0x0], $0xffff;
	s31 =	sor.u32 s22, s14;
	[tilespmem:s4+$0x0] =	vst v26  }
0x7b: {  	s24 =	sor.u32 $0x400, s30;
	s1 =	sand.u32 $0x200, s23;
	v26 =	vadd.s32 v8, v17;
	[tilespmem:s31+$0x0] =	vst v27;
	v27 =	vld.idx.msk [tilespmem:v28+s2+$0x0], $0xffff  }
0x7c: {  	s1 =	sor.u32 s1, s14;
	[tilespmem:s24+$0x10100] =	vst v30;
	v28 =	vadd.s32 v2, v19;
	v34 =	vld.idx.msk [tilespmem:v48+s2+$0x0], $0xffff  }
0x7d: {  	v30 =	vadd.s32 v2, v22;
	[tilespmem:s1+$0x0] =	vst v31;
	v31 =	vld.idx.msk [tilespmem:v36+s2+$0x0], $0xffff  }
0x7e: {  	v51 =	vadd.s32 v10, v23;
	[tilespmem:s6+$0x10] =	vst v32;
	v29 =	vld.idx.msk [tilespmem:v29+s2+$0x0], $0xffff  }
0x7f: {  	v52 =	vadd.s32 v2, v21;
	[tilespmem:s9+$0x70] =	vst v49;
	v53 =	vld.idx.msk [tilespmem:v50+s2+$0x0], $0xffff  }
0x80: {  	p1 =	por $0x0, $0x0;
	v54 =	vadd.s32 v3, v20;
	s9 =	simm.s32 $0x1;
	v26 =	vld.idx.msk [tilespmem:v26+s2+$0x0], $0xffff;
	[tilespmem:s4+$0x10] =	vst v27  }
0x81: {  	s25 =	sor.u32 $0x410, s30;
	s9 =	simm.s32 @!p1 $0x0;
	[tilespmem:s31+$0x10] =	vst v34;
	v27 =	vadd.s32 v9, v17;
	v28 =	vld.idx.msk [tilespmem:v28+s2+$0x0], $0xffff  }
0x82: {  	v55 =	vadd.s32 v3, v19;
	s9 =	sshll.u32 s9, $0x9;
	v30 =	vld.idx.msk [tilespmem:v30+s2+$0x0], $0xffff;
	[tilespmem:s25+$0x10100] =	vst v31  }
0x83: {  	s26 =	sand.u32 $0x3, s17;
	s20 =	sadd.s32 $0x0, s9;
	v31 =	vadd.s32 v3, v22;
	[tilespmem:s1+$0x10] =	vst v29;
	v29 =	vld.idx.msk [tilespmem:v51+s2+$0x0], $0xffff  }
0x84: {  	s3 =	sshll.u32 s26, $0x8;
	v56 =	vadd.s32 v9, v18;
	s5 =	sor.u32 $0x400, s20;
	[tilespmem:s6+$0x20] =	vst v53;
	v32 =	vld.idx.msk [tilespmem:v52+s2+$0x0], $0xffff  }
0x85: {  	s9 =	sadd.s32 $0x0, s3;
	[tilespmem:s5+$0x10100] =	vst v26;
	v26 =	vadd.s32 v11, v23;
	v35 =	vld.idx.msk [tilespmem:v54+s2+$0x0], $0xffff  }
0x86: {  	s23 =	sadd.s32 $0x100, s9;
	v57 =	vld.idx.msk [tilespmem:v27+s2+$0x0], $0xffff;
	v27 =	vadd.s32 v4, v20;
	[tilespmem:s4+$0x20] =	vst v28  }
0x87: {  	s9 =	sor.u32 $0x400, s23;
	v28 =	vadd.s32 v3, v21;
	[tilespmem:s31+$0x20] =	vst v30;
	v30 =	vld.idx.msk [tilespmem:v55+s2+$0x0], $0xffff  }
0x88: {  	s11 =	sor.u32 $0x420, s30;
	[tilespmem:s9+$0x10100] =	vst v25;
	v25 =	vadd.s32 v4, v19;
	v31 =	vld.idx.msk [tilespmem:v31+s2+$0x0], $0xffff  }
0x89: {  	v58 =	vadd.s32 v4, v22;
	[tilespmem:s11+$0x10100] =	vst v29;
	v29 =	vld.idx.msk [tilespmem:v56+s2+$0x0], $0xffff  }
0x8a: {  	v59 =	vadd.s32 v10, v18;
	v26 =	vld.idx.msk [tilespmem:v26+s2+$0x0], $0xffff;
	[tilespmem:s6+$0x30] =	vst v35  }
0x8b: {  	[tilespmem:s1+$0x20] =	vst v32;
	v60 =	vld.idx.msk [tilespmem:v27+s2+$0x0], $0xffff;
	v27 =	vadd.s32 v12, v23  }
0x8c: {  	v61 =	vadd.s32 v5, v20;
	v28 =	vld.idx.msk [tilespmem:v28+s2+$0x0], $0xffff;
	[tilespmem:s4+$0x30] =	vst v30  }
0x8d: {  	s14 =	sor.u32 $0x410, s23;
	v30 =	vadd.s32 v4, v21;
	[tilespmem:s31+$0x30] =	vst v31;
	v25 =	vld.idx.msk [tilespmem:v25+s2+$0x0], $0xffff  }
0x8e: {  	s15 =	sor.u32 $0x430, s30;
	v31 =	vld.idx.msk [tilespmem:v58+s2+$0x0], $0xffff;
	[tilespmem:s14+$0x10100] =	vst v29;
	v29 =	vadd.s32 v5, v19  }
0x8f: {  	[tilespmem:s15+$0x10100] =	vst v26;
	v33 =	vld.idx.msk [tilespmem:v59+s2+$0x0], $0xffff;
	v26 =	vadd.s32 v10, v17  }
0x90: {  	s21 =	sadd.s32 s12, s19;
	v62 =	vadd.s32 v5, v22;
	v27 =	vld.idx.msk [tilespmem:v27+s2+$0x0], $0xffff;
	[tilespmem:s6+$0x40] =	vst v60  }
0x91: {  	v63 =	vadd.s32 v11, v18;
	s16 =	simm.s32 $0x4;
	s22 =	sadd.s32 $0x180, s13;
	p1 =	por !p1, !p1;
	[tilespmem:s1+$0x30] =	vst v28;
	v28 =	vld.idx.msk [tilespmem:v61+s2+$0x0], $0xffff  }
0x92: {  	v38 =	vadd.s32 v6, v20;
	s24 =	sor.u32 $0x410, s20;
	s26 =	sor.u32 $0x420, s23;
	s15 =	simm.s32 $0x2;
	v37 =	vld.idx.msk [tilespmem:v30+s2+$0x0], $0xffff;
	[tilespmem:s4+$0x40] =	vst v25  }
0x93: {  	s9 =	sand.u32 $0x7, s16;
	[tilespmem:s24+$0x10100] =	vst v57;
	s14 =	simm.s32 $0x1;
	s16 =	sand.u32 $0x3, s15;
	v30 =	vld.idx.msk [tilespmem:v29+s2+$0x0], $0xffff  }
0x94: {  	v36 =	vadd.s32 v5, v21;
	s9 =	sshll.u32 s9, $0x7;
	s14 =	simm.s32 @!p1 $0x0;
	s25 =	sshll.u32 s16, $0x8;
	[tilespmem:s31+$0x40] =	vst v31;
	v29 =	vld.idx.msk [tilespmem:v26+s2+$0x0], $0xffff  }
0x95: {  	v34 =	vadd.s32 v13, v23;
	s9 =	sadd.s32 $0x400, s9;
	s14 =	sshll.u32 s14, $0x9;
	s13 =	sadd.s32 $0x400, s25;
	[tilespmem:s26+$0x10100] =	vst v33;
	v31 =	vld.idx.msk [tilespmem:v62+s2+$0x0], $0xffff  }
0x96: {  	s28 =	sadd.s32 $0x80, s9;
	v35 =	vadd.s32 v6, v19;
	v32 =	vadd.s32 v11, v17;
	s24 =	sadd.s32 $0x400, s14;
	s25 =	sadd.s32 $0x100, s13;
	[tilespmem:s6+$0x50] =	vst v28;
	v28 =	vld.idx.msk [tilespmem:v63+s2+$0x0], $0xffff  }
0x97: {  	v25 =	vadd.s32 v8, v16;
	s13 =	sor.u32 $0x440, s30;
	v26 =	vadd.s32 v8, v19;
	s26 =	sadd.s32 $0x180, s9;
	s9 =	simm.s32 $0x8;
	[tilespmem:s1+$0x40] =	vst v37;
	v33 =	vld.idx.msk [tilespmem:v38+s2+$0x0], $0xffff  }
.LBB2_9:
0x98: {  	s14 =	sand.u32 $0x7, s9  }
0x99: {  	v36 =	vld.idx.msk [tilespmem:v36+s2+$0x0], $0xffff;
	s16 =	sor.u32 $0x420, s20;
	[tilespmem:s13+$0x10100] =	vst v27;
	s11 =	smov.u32 s29;
	s29 =	sadd.s32 $0x4, s29  }
0x9a: {  	v27 =	vadd.s32 v6, v22;
	s13 =	sshll.u32 s14, $0x7;
	s14 =	sand.u32 $0xC, s29;
	s12 =	sand.u32 $0x30, s29;
	[tilespmem:s4+$0x50] =	vst v30;
	v30 =	vld.idx.msk [tilespmem:v34+s2+$0x0], $0xffff  }
0x9b: {  	p2 =	slt.u32 s29, $0x3C;
	v34 =	vadd.s32 v7, v20;
	v35 =	vld.idx.msk [tilespmem:v35+s2+$0x0], $0xffff;
	[tilespmem:s16+$0x10100] =	vst v29  }
0x9c: {  	[tilespmem:s31+$0x50] =	vst v31;
	v29 =	vld.idx.msk [tilespmem:v32+s2+$0x0], $0xffff;
	v31 =	vadd.s32 v14, v23  }
0x9d: {  	v37 =	vadd.s32 v7, v19;
	v32 =	vld.idx.msk [tilespmem:v24+s12+$0x0 ss:$0x1], $0xffff  }
0x9e: {  	v38 =	vadd.s32 v6, v21;
	s16 =	sor.u32 $0x430, s23;
	s12 =	sor.u32 $0x450, s30;
	[tilespmem:s6+$0x60] =	vst v33;
	v33 =	vld.idx.msk [tilespmem:v25+s2+$0x0], $0xffff;
	v25 =	vmov v26  }
0x9f: {  	s3 =	sadd.s32 $0x5, s11;
	s5 =	sadd.s32 $0x6, s11;
	s11 =	sadd.s32 $0x7, s11;
	v26 =	vld.idx.msk [tilespmem:v27+s2+$0x0], $0xffff;
	[tilespmem:s16+$0x10100] =	vst v28;
	v28 =	vadd.s32 v12, v18  }
0xa0: {  	v39 =	vmov s14;
	s3 =	sand.u32 $0xD, s3;
	s5 =	sand.u32 $0xE, s5;
	v27 =	vmov s11;
	v34 =	vld.idx.msk [tilespmem:v34+s2+$0x0], $0xffff;
	[tilespmem:s12+$0x10100] =	vst v30;
	v30 =	vadd.s32 v9, v16  }
0xa1: {  	v40 =	vmov s3;
	[tilespmem:s4+$0x60] =	vst v35;
	v35 =	vadd.s32 v12, v17;
	v31 =	vld.idx.msk [tilespmem:v31+s2+$0x0], $0xffff  }
0xa2: {  	v42 =	vadd.s32 v13, v18;
	v41 =	vmov s5;
	s3 =	sor.u32 $0x430, s20;
	[tilespmem:s1+$0x50] =	vst v36;
	v36 =	vadd.s32 v7, v22;
	v37 =	vld.idx.msk [tilespmem:v37+s2+$0x0], $0xffff  }
0xa3: {  	v43 =	vadd.s32 v8, v20;
	v38 =	vld.idx.msk [tilespmem:v38+s2+$0x0], $0xffff;
	[tilespmem:s3+$0x10100] =	vst v29;
	v29 =	vadd.s32 v15, v23;
	s3 =	sor.u32 $0x400, s22;
	v23 =	vmov v22  }
0xa4: {  	v27 =	vperm.xlane v32, v27;
	v22 =	vperm.xlane v32, v40;
	v40 =	vld.idx.msk [tilespmem:v28+s2+$0x0], $0xffff;
	[tilespmem:s3+$0x10100] =	vst v33  }
0xa5: {  	v33 =	vperm.xlane v32, v41;
	v41 =	vadd.s32 v7, v21;
	[tilespmem:s31+$0x60] =	vst v26;
	v30 =	vld.idx.msk [tilespmem:v30+s2+$0x0], $0xffff  }
0xa6: {  	s3 =	sor.u32 $0x460, s30;
	v44 =	vadd.s32 v0, v22;
	v26 =	vadd.s32 v8, v27;
	[tilespmem:s6+$0x70] =	vst v34;
	v34 =	vld.idx.msk [tilespmem:v35+s2+$0x0], $0xffff  }
0xa7: {  	p1 =	por !p1, !p1;
	s5 =	sor.u32 $0x440, s20;
	v35 =	vadd.s32 v0, v27;
	v36 =	vld.idx.msk [tilespmem:v36+s2+$0x0], $0xffff;
	[tilespmem:s3+$0x10100] =	vst v31;
	s3 =	simm.s32 $0x1  }
0xa8: {  	s15 =	sadd.s32 $0x2, s15;
	v28 =	vperm.xlane v32, v39;
	v32 =	vadd.s32 v10, v16;
	s3 =	simm.s32 @!p1 $0x0;
	v31 =	vld.idx.msk [tilespmem:v43+s2+$0x0], $0xffff;
	[tilespmem:s4+$0x70] =	vst v37;
	s4 =	sor.u32 $0x410, s22  }
0xa9: {  	s11 =	sor.u32 $0x440, s23;
	s6 =	sand.u32 $0x3, s15;
	v37 =	vadd.s32 v0, v33;
	s3 =	sshll.u32 s3, $0x9;
	[tilespmem:s1+$0x60] =	vst v38;
	v29 =	vld.idx.msk [tilespmem:v29+s2+$0x0], $0xffff  }
0xaa: {  	s8 =	sadd.s32 $0x200, s8;
	s0 =	sadd.s32 $0x400, s0;
	s6 =	sshll.u32 s6, $0x8;
	v38 =	vadd.s32 v0, v28;
	v39 =	vld.idx.msk [tilespmem:v41+s2+$0x0], $0xffff;
	v41 =	vadd.s32 v13, v17;
	[tilespmem:s11+$0x10100] =	vst v40  }
0xab: {  	s6 =	sadd.s32 s0, s6;
	s11 =	sadd.s32 s0, s13;
	s13 =	sadd.s32 s3, s0;
	v40 =	vadd.s32 v8, v23;
	v42 =	vld.idx.msk [tilespmem:v42+s2+$0x0], $0xffff;
	[tilespmem:s4+$0x10100] =	vst v30  }
0xac: {  	s14 =	sadd.s32 $0x100, s6;
	s3 =	sadd.s32 $0x80, s11;
	s16 =	sadd.s32 $0x180, s11;
	v30 =	vld.idx.msk [tilespmem:v44+s2+$0x0], $0xffff;
	[tilespmem:s5+$0x10100] =	vst v34  }
0xad: {  	s6 =	sor.u32 $0x470, s30;
	s4 =	sand.u32 $0x3800, s0;
	s5 =	sadd.s32 $0xFFFFFF00, s8;
	v34 =	vadd.s32 v1, v22;
	[tilespmem:s31+$0x70] =	vst v36;
	v32 =	vld.idx.msk [tilespmem:v32+s2+$0x0], $0xffff  }
0xae: {  	v43 =	vadd.s32 v14, v18;
	s11 =	sor.u32 $0x10100, s4;
	s4 =	sand.u32 $0x280, s5;
	s5 =	sadd.s32 $0xFFFFFF80, s8;
	v36 =	vld.idx.msk [tilespmem:v37+s2+$0x0], $0xffff;
	v37 =	vadd.s32 v1, v27  }
0xaf: {  	s30 =	smov.u32 s28;
	s31 =	sor.u32 s4, s11;
	s4 =	sand.u32 $0x300, s5;
	v41 =	vld.idx.msk [tilespmem:v41+s2+$0x0], $0xffff;
	[tilespmem:s6+$0x10100] =	vst v29;
	v29 =	vadd.s32 v11, v16  }
0xb0: {  	v44 =	vadd.s32 v1, v33;
	s6 =	sadd.s32 s4, s11;
	s4 =	sand.u32 $0x380, s8;
	[tilespmem:s1+$0x70] =	vst v39;
	v39 =	vadd.s32 v8, v21;
	v40 =	vld.idx.msk [tilespmem:v40+s2+$0x0], $0xffff;
	s1 =	sor.u32 $0x450, s23  }
0xb1: {  	s28 =	smov.u32 s3;
	s5 =	sor.u32 $0x400, s25;
	s4 =	sadd.s32 s4, s11;
	v38 =	vld.idx.msk [tilespmem:v38+s2+$0x0], $0xffff;
	[tilespmem:s1+$0x10100] =	vst v42  }
0xb2: {  	v42 =	vadd.s32 v1, v28;
	s1 =	sor.u32 $0x420, s22;
	v35 =	vld.idx.msk [tilespmem:v35+s2+$0x0], $0xffff;
	[tilespmem:s5+$0x10100] =	vst v31  }
0xb3: {  	s3 =	sadd.s32 $0xFFFFFE80, s8;
	v31 =	vadd.s32 v9, v23;
	v43 =	vld.idx.msk [tilespmem:v43+s2+$0x0], $0xffff;
	[tilespmem:s1+$0x10100] =	vst v32  }
0xb4: {  	s1 =	sand.u32 $0x200, s3;
	v32 =	vadd.s32 v2, v22;
	[tilespmem:s6+$0x0] =	vst v36;
	v29 =	vld.idx.msk [tilespmem:v29+s2+$0x0], $0xffff  }
0xb5: {  	s3 =	sor.u32 $0x400, s30;
	s1 =	sor.u32 s1, s11;
	[tilespmem:s31+$0x0] =	vst v30;
	v30 =	vadd.s32 v2, v27;
	v36 =	vld.idx.msk [tilespmem:v39+s2+$0x0], $0xffff  }
0xb6: {  	v39 =	vadd.s32 v12, v16;
	v34 =	vld.idx.msk [tilespmem:v34+s2+$0x0], $0xffff;
	[tilespmem:s3+$0x10100] =	vst v40  }
0xb7: {  	v40 =	vadd.s32 v2, v33;
	s3 =	sor.u32 $0x450, s20;
	[tilespmem:s1+$0x0] =	vst v38;
	v38 =	vld.idx.msk [tilespmem:v44+s2+$0x0], $0xffff;
	v44 =	vadd.s32 v14, v17  }
0xb8: {  	v31 =	vld.idx.msk [tilespmem:v31+s2+$0x0], $0xffff;
	[tilespmem:s3+$0x10100] =	vst v41;
	v41 =	vadd.s32 v15, v18;
	v18 =	vmov v20;
	v20 =	vmov v33  }
0xb9: {  	s3 =	sor.u32 $0x430, s22;
	v33 =	vld.idx.msk [tilespmem:v42+s2+$0x0], $0xffff;
	v42 =	vadd.s32 v2, v28;
	[tilespmem:s4+$0x0] =	vst v35  }
0xba: {  	s5 =	sor.u32 $0x460, s23;
	v35 =	vld.idx.msk [tilespmem:v37+s2+$0x0], $0xffff;
	[tilespmem:s3+$0x10100] =	vst v29  }
0xbb: {  	v29 =	vadd.s32 v3, v22;
	v37 =	vadd.s32 v10, v23;
	[tilespmem:s5+$0x10100] =	vst v43;
	v39 =	vld.idx.msk [tilespmem:v39+s2+$0x0], $0xffff  }
0xbc: {  	[tilespmem:s31+$0x10] =	vst v34;
	v34 =	vadd.s32 v3, v27;
	v43 =	vld.idx.msk [tilespmem:v44+s2+$0x0], $0xffff  }
0xbd: {  	s3 =	sor.u32 $0x410, s30;
	[tilespmem:s6+$0x10] =	vst v38;
	v38 =	vld.idx.msk [tilespmem:v41+s2+$0x0], $0xffff;
	v41 =	vadd.s32 v13, v16  }
0xbe: {  	v44 =	vadd.s32 v3, v20;
	v40 =	vld.idx.msk [tilespmem:v40+s2+$0x0], $0xffff;
	[tilespmem:s3+$0x10100] =	vst v31  }
0xbf: {  	[tilespmem:s1+$0x10] =	vst v33;
	v31 =	vld.idx.msk [tilespmem:v32+s2+$0x0], $0xffff;
	v32 =	vadd.s32 v9, v21  }
0xc0: {  	s3 =	sor.u32 $0x440, s22;
	v33 =	vadd.s32 v3, v28;
	[tilespmem:s4+$0x10] =	vst v35;
	v35 =	vld.idx.msk [tilespmem:v37+s2+$0x0], $0xffff  }
0xc1: {  	s5 =	sor.u32 $0x400, s24;
	v30 =	vld.idx.msk [tilespmem:v30+s2+$0x0], $0xffff;
	[tilespmem:s3+$0x10100] =	vst v39  }
0xc2: {  	v37 =	vadd.s32 v4, v22;
	s3 =	sor.u32 $0x470, s23;
	s23 =	smov.u32 s25;
	s25 =	smov.u32 s14;
	[tilespmem:s5+$0x10100] =	vst v36;
	v36 =	vadd.s32 v11, v23;
	v39 =	vld.idx.msk [tilespmem:v41+s2+$0x0], $0xffff  }
0xc3: {  	v41 =	vld.idx.msk [tilespmem:v42+s2+$0x0], $0xffff;
	v42 =	vadd.s32 v4, v27;
	[tilespmem:s3+$0x10100] =	vst v38  }
0xc4: {  	v38 =	vadd.s32 v9, v18;
	[tilespmem:s6+$0x20] =	vst v40;
	v32 =	vld.idx.msk [tilespmem:v32+s2+$0x0], $0xffff  }
0xc5: {  	s3 =	sor.u32 $0x420, s30;
	v40 =	vadd.s32 v4, v20;
	[tilespmem:s31+$0x20] =	vst v31;
	v31 =	vld.idx.msk [tilespmem:v44+s2+$0x0], $0xffff  }
0xc6: {  	v29 =	vld.idx.msk [tilespmem:v29+s2+$0x0], $0xffff;
	[tilespmem:s3+$0x10100] =	vst v35;
	v35 =	vadd.s32 v15, v17;
	v17 =	vmov v21;
	v21 =	vmov v28  }
0xc7: {  	s3 =	sor.u32 $0x450, s22;
	v28 =	vadd.s32 v4, v21;
	[tilespmem:s4+$0x20] =	vst v30;
	v30 =	vld.idx.msk [tilespmem:v36+s2+$0x0], $0xffff  }
0xc8: {  	v36 =	vadd.s32 v14, v16;
	v34 =	vld.idx.msk [tilespmem:v34+s2+$0x0], $0xffff;
	[tilespmem:s3+$0x10100] =	vst v39  }
0xc9: {  	s3 =	sor.u32 $0x460, s20;
	[tilespmem:s1+$0x20] =	vst v41;
	v38 =	vld.idx.msk [tilespmem:v38+s2+$0x0], $0xffff  }
0xca: {  	v33 =	vld.idx.msk [tilespmem:v33+s2+$0x0], $0xffff;
	[tilespmem:s3+$0x10100] =	vst v43  }
0xcb: {  	[tilespmem:s6+$0x30] =	vst v31;
	v31 =	vadd.s32 v10, v18;
	v35 =	vld.idx.msk [tilespmem:v35+s2+$0x0], $0xffff  }
0xcc: {  	v39 =	vadd.s32 v12, v23;
	s3 =	sor.u32 $0x410, s24;
	[tilespmem:s31+$0x30] =	vst v29;
	v29 =	vld.idx.msk [tilespmem:v40+s2+$0x0], $0xffff  }
0xcd: {  	[tilespmem:s3+$0x10100] =	vst v32;
	v32 =	vld.idx.msk [tilespmem:v36+s2+$0x0], $0xffff  }
0xce: {  	v36 =	vadd.s32 v5, v20;
	s3 =	sor.u32 $0x410, s23;
	v37 =	vld.idx.msk [tilespmem:v37+s2+$0x0], $0xffff;
	[tilespmem:s4+$0x30] =	vst v34  }
0xcf: {  	s5 =	sor.u32 $0x430, s30;
	v34 =	vld.idx.msk [tilespmem:v42+s2+$0x0], $0xffff;
	[tilespmem:s3+$0x10100] =	vst v38;
	v38 =	vadd.s32 v15, v16;
	v16 =	vmov v19;
	v19 =	vmov v27  }
0xd0: {  	[tilespmem:s5+$0x10100] =	vst v30;
	v31 =	vld.idx.msk [tilespmem:v31+s2+$0x0], $0xffff  }
0xd1: {  	v30 =	vadd.s32 v5, v19;
	[tilespmem:s1+$0x30] =	vst v33;
	v27 =	vld.idx.msk [tilespmem:v39+s2+$0x0], $0xffff  }
0xd2: {  	s3 =	sor.u32 $0x460, s22;
	v28 =	vld.idx.msk [tilespmem:v28+s2+$0x0], $0xffff;
	[tilespmem:s6+$0x40] =	vst v29;
	v29 =	vadd.s32 v10, v17  }
0xd3: {  	s5 =	sor.u32 $0x470, s20;
	s20 =	smov.u32 s24;
	s24 =	smov.u32 s13;
	v33 =	vadd.s32 v5, v22;
	v39 =	vld.idx.msk [tilespmem:v36+s2+$0x0], $0xffff;
	[tilespmem:s3+$0x10100] =	vst v32  }
0xd4: {  	v40 =	vadd.s32 v11, v18;
	[tilespmem:s5+$0x10100] =	vst v35;
	v38 =	vld.idx.msk [tilespmem:v38+s2+$0x0], $0xffff  }
0xd5: {  	v41 =	vadd.s32 v6, v20;
	s3 =	sor.u32 $0x420, s23;
	[tilespmem:s4+$0x40] =	vst v34  }
.Ltmp3:
0xd6: {  	v36 =	vadd.s32 v5, v21;
	v30 =	vld.idx.msk [tilespmem:v30+s2+$0x0], $0xffff;
	[tilespmem:s3+$0x10100] =	vst v31;
	(pc) =	sbr.rel @p2 .LBB2_9-.Ltmp3, $4  }
0xd7: {  	v34 =	vadd.s32 v13, v23;
	[tilespmem:s31+$0x40] =	vst v37;
	v29 =	vld.idx.msk [tilespmem:v29+s2+$0x0], $0xffff  }
0xd8: {  	v35 =	vadd.s32 v6, v19;
	[tilespmem:s1+$0x40] =	vst v28;
	v31 =	vld.idx.msk [tilespmem:v33+s2+$0x0], $0xffff  }
0xd9: {  	v32 =	vadd.s32 v11, v17;
	s3 =	sor.u32 $0x470, s22;
	s22 =	smov.u32 s26;
	s26 =	smov.u32 s16;
	[tilespmem:s6+$0x50] =	vst v39;
	v28 =	vld.idx.msk [tilespmem:v40+s2+$0x0], $0xffff  }
0xda: {  	s9 =	sadd.s32 $0x4, s9;
	s13 =	sor.u32 $0x440, s30;
	v33 =	vld.idx.msk [tilespmem:v41+s2+$0x0], $0xffff;
	[tilespmem:s3+$0x10100] =	vst v38  }
0xdb: {  	_ =	sdelay $0x2  }
0xdc: {  	v24 =	vadd.s32 v6, v22  }
0xdd: {  	v36 =	vld.idx.msk [tilespmem:v36+s2+$0x0], $0xffff  }
0xde: {  	[tilespmem:s13+$0x10100] =	vst v27;
	v27 =	vadd.s32 v6, v21  }
0xdf: {  	[tilespmem:s4+$0x50] =	vst v30  }
0xe0: {  	s0 =	sor.u32 $0x420, s20;
	v30 =	vld.idx.msk [tilespmem:v34+s2+$0x0], $0xffff;
	[tilespmem:s31+$0x50] =	vst v31  }
0xe1: {  	[tilespmem:s0+$0x10100] =	vst v29;
	v31 =	vadd.s32 v7, v20;
	v24 =	vld.idx.msk [tilespmem:v24+s2+$0x0], $0xffff  }
0xe2: {  	v45 =	vadd.s32 v7, v22;
	s14 =	sor.u32 $0x430, s23;
	v29 =	vld.idx.msk [tilespmem:v35+s2+$0x0], $0xffff;
	[tilespmem:s1+$0x50] =	vst v36  }
0xe3: {  	v46 =	vadd.s32 v14, v23;
	[tilespmem:s14+$0x10100] =	vst v28;
	v27 =	vld.idx.msk [tilespmem:v27+s2+$0x0], $0xffff  }
0xe4: {  	s3 =	sor.u32 $0x450, s30;
	v25 =	vld.idx.msk [tilespmem:v25+s2+$0x0], $0xffff;
	v28 =	vadd.s32 v7, v21;
	[tilespmem:s6+$0x60] =	vst v33  }
0xe5: {  	v47 =	vadd.s32 v7, v19;
	v32 =	vld.idx.msk [tilespmem:v32+s2+$0x0], $0xffff;
	[tilespmem:s3+$0x10100] =	vst v30  }
0xe6: {  	v30 =	vadd.s32 v12, v18;
	v31 =	vld.idx.msk [tilespmem:v31+s2+$0x0], $0xffff;
	[tilespmem:s31+$0x60] =	vst v24  }
0xe7: {  	[tilespmem:s4+$0x60] =	vst v29;
	v24 =	vadd.s32 v9, v16;
	v29 =	vld.idx.msk [tilespmem:v45+s2+$0x0], $0xffff  }
0xe8: {  	s16 =	sor.u32 $0x400, s22;
	v48 =	vld.idx.msk [tilespmem:v46+s2+$0x0], $0xffff;
	[tilespmem:s1+$0x60] =	vst v27;
	v27 =	vadd.s32 v8, v22  }
0xe9: {  	s15 =	sor.u32 $0x430, s20;
	v49 =	vadd.s32 v8, v20;
	[tilespmem:s16+$0x10100] =	vst v25;
	v28 =	vld.idx.msk [tilespmem:v28+s2+$0x0], $0xffff  }
0xea: {  	v25 =	vadd.s32 v8, v21;
	[tilespmem:s15+$0x10100] =	vst v32;
	v50 =	vld.idx.msk [tilespmem:v47+s2+$0x0], $0xffff  }
0xeb: {  	v30 =	vld.idx.msk [tilespmem:v30+s2+$0x0], $0xffff;
	[tilespmem:s6+$0x70] =	vst v31  }
0xec: {  	s29 =	sor.u32 $0x460, s30;
	v23 =	vadd.s32 v15, v23;
	v24 =	vld.idx.msk [tilespmem:v24+s2+$0x0], $0xffff;
	[tilespmem:s31+$0x70] =	vst v29  }
0xed: {  	v31 =	vadd.s32 v12, v17;
	[tilespmem:s29+$0x10100] =	vst v48;
	v27 =	vld.idx.msk [tilespmem:v27+s2+$0x0], $0xffff  }
0xee: {  	v29 =	vld.idx.msk [tilespmem:v49+s2+$0x0], $0xffff;
	[tilespmem:s1+$0x70] =	vst v28;
	v28 =	vadd.s32 v9, v22  }
0xef: {  	v51 =	vadd.s32 v9, v20;
	s3 =	sor.u32 $0x440, s23;
	[tilespmem:s4+$0x70] =	vst v50;
	v25 =	vld.idx.msk [tilespmem:v25+s2+$0x0], $0xffff  }
0xf0: {  	s4 =	sor.u32 $0x410, s22;
	v26 =	vld.idx.msk [tilespmem:v26+s2+$0x0], $0xffff;
	[tilespmem:s3+$0x10100] =	vst v30;
	v30 =	vadd.s32 v9, v21  }
0xf1: {  	s5 =	sor.u32 $0x400, s28;
	v23 =	vld.idx.msk [tilespmem:v23+s2+$0x0], $0xffff;
	[tilespmem:s4+$0x10100] =	vst v24;
	v24 =	vadd.s32 v9, v19  }
0xf2: {  	v52 =	vadd.s32 v13, v18;
	s6 =	sor.u32 $0x400, s25;
	v31 =	vld.idx.msk [tilespmem:v31+s2+$0x0], $0xffff;
	[tilespmem:s5+$0x10100] =	vst v27  }
0xf3: {  	s8 =	sor.u32 $0x400, s24;
	[tilespmem:s6+$0x10100] =	vst v29;
	v27 =	vadd.s32 v10, v16;
	v28 =	vld.idx.msk [tilespmem:v28+s2+$0x0], $0xffff  }
0xf4: {  	s9 =	sor.u32 $0x400, s26;
	v29 =	vadd.s32 v10, v22;
	[tilespmem:s8+$0x10100] =	vst v25;
	v25 =	vld.idx.msk [tilespmem:v51+s2+$0x0], $0xffff  }
0xf5: {  	v53 =	vadd.s32 v10, v20;
	s12 =	sor.u32 $0x470, s30;
	[tilespmem:s9+$0x10100] =	vst v26;
	v30 =	vld.idx.msk [tilespmem:v30+s2+$0x0], $0xffff  }
0xf6: {  	s11 =	sor.u32 $0x440, s20;
	v26 =	vadd.s32 v10, v21;
	[tilespmem:s12+$0x10100] =	vst v23;
	v24 =	vld.idx.msk [tilespmem:v24+s2+$0x0], $0xffff  }
0xf7: {  	s13 =	sor.u32 $0x410, s28;
	v23 =	vadd.s32 v10, v19;
	[tilespmem:s11+$0x10100] =	vst v31;
	v31 =	vld.idx.msk [tilespmem:v52+s2+$0x0], $0xffff  }
0xf8: {  	v54 =	vadd.s32 v13, v17;
	s14 =	sor.u32 $0x410, s25;
	v27 =	vld.idx.msk [tilespmem:v27+s2+$0x0], $0xffff;
	[tilespmem:s13+$0x10100] =	vst v28  }
0xf9: {  	s15 =	sor.u32 $0x410, s24;
	v28 =	vadd.s32 v11, v16;
	[tilespmem:s14+$0x10100] =	vst v25;
	v29 =	vld.idx.msk [tilespmem:v29+s2+$0x0], $0xffff  }
0xfa: {  	s16 =	sor.u32 $0x410, s26;
	v25 =	vadd.s32 v11, v22;
	[tilespmem:s15+$0x10100] =	vst v30;
	v30 =	vld.idx.msk [tilespmem:v53+s2+$0x0], $0xffff  }
0xfb: {  	v55 =	vadd.s32 v11, v20;
	s29 =	sor.u32 $0x450, s23;
	v26 =	vld.idx.msk [tilespmem:v26+s2+$0x0], $0xffff;
	[tilespmem:s16+$0x10100] =	vst v24  }
0xfc: {  	s30 =	sor.u32 $0x420, s22;
	[tilespmem:s29+$0x10100] =	vst v31;
	v24 =	vadd.s32 v11, v21;
	v23 =	vld.idx.msk [tilespmem:v23+s2+$0x0], $0xffff  }
0xfd: {  	s31 =	sor.u32 $0x420, s28;
	v31 =	vld.idx.msk [tilespmem:v54+s2+$0x0], $0xffff;
	[tilespmem:s30+$0x10100] =	vst v27;
	v27 =	vadd.s32 v11, v19  }
0xfe: {  	v56 =	vadd.s32 v14, v18;
	s1 =	sor.u32 $0x420, s25;
	v28 =	vld.idx.msk [tilespmem:v28+s2+$0x0], $0xffff;
	[tilespmem:s31+$0x10100] =	vst v29  }
0xff: {  	s3 =	sor.u32 $0x420, s24;
	v29 =	vadd.s32 v12, v16;
	[tilespmem:s1+$0x10100] =	vst v30;
	v25 =	vld.idx.msk [tilespmem:v25+s2+$0x0], $0xffff  }
0x100: {  	s4 =	sor.u32 $0x420, s26;
	v30 =	vadd.s32 v12, v22;
	v32 =	vld.idx.msk [tilespmem:v55+s2+$0x0], $0xffff;
	[tilespmem:s3+$0x10100] =	vst v26  }
0x101: {  	s5 =	sor.u32 $0x450, s20;
	v26 =	vadd.s32 v12, v20;
	v24 =	vld.idx.msk [tilespmem:v24+s2+$0x0], $0xffff;
	[tilespmem:s4+$0x10100] =	vst v23  }
0x102: {  	s6 =	sor.u32 $0x430, s22;
	[tilespmem:s5+$0x10100] =	vst v31;
	v23 =	vadd.s32 v12, v21;
	v27 =	vld.idx.msk [tilespmem:v27+s2+$0x0], $0xffff  }
0x103: {  	s8 =	sor.u32 $0x430, s28;
	v31 =	vld.idx.msk [tilespmem:v56+s2+$0x0], $0xffff;
	[tilespmem:s6+$0x10100] =	vst v28;
	v28 =	vadd.s32 v12, v19  }
0x104: {  	v18 =	vadd.s32 v15, v18;
	s9 =	sor.u32 $0x430, s25;
	v29 =	vld.idx.msk [tilespmem:v29+s2+$0x0], $0xffff;
	[tilespmem:s8+$0x10100] =	vst v25  }
0x105: {  	s11 =	sor.u32 $0x430, s24;
	v25 =	vadd.s32 v13, v16;
	[tilespmem:s9+$0x10100] =	vst v32;
	v30 =	vld.idx.msk [tilespmem:v30+s2+$0x0], $0xffff  }
0x106: {  	v57 =	vadd.s32 v13, v22;
	s12 =	sor.u32 $0x430, s26;
	[tilespmem:s11+$0x10100] =	vst v24;
	v24 =	vld.idx.msk [tilespmem:v26+s2+$0x0], $0xffff  }
0x107: {  	s13 =	sor.u32 $0x460, s23;
	v26 =	vadd.s32 v13, v20;
	v23 =	vld.idx.msk [tilespmem:v23+s2+$0x0], $0xffff;
	[tilespmem:s12+$0x10100] =	vst v27  }
0x108: {  	s14 =	sor.u32 $0x440, s22;
	[tilespmem:s13+$0x10100] =	vst v31;
	v27 =	vadd.s32 v13, v21;
	v28 =	vld.idx.msk [tilespmem:v28+s2+$0x0], $0xffff  }
0x109: {  	s15 =	sor.u32 $0x440, s28;
	v18 =	vld.idx.msk [tilespmem:v18+s2+$0x0], $0xffff;
	[tilespmem:s14+$0x10100] =	vst v29;
	v29 =	vadd.s32 v13, v19  }
0x10a: {  	s16 =	sor.u32 $0x440, s25;
	v31 =	vadd.s32 v14, v17;
	v25 =	vld.idx.msk [tilespmem:v25+s2+$0x0], $0xffff;
	[tilespmem:s15+$0x10100] =	vst v30  }
0x10b: {  	s29 =	sor.u32 $0x440, s24;
	v30 =	vadd.s32 v14, v16;
	[tilespmem:s16+$0x10100] =	vst v24;
	v32 =	vld.idx.msk [tilespmem:v57+s2+$0x0], $0xffff  }
0x10c: {  	s30 =	sor.u32 $0x440, s26;
	v24 =	vadd.s32 v14, v22;
	v26 =	vld.idx.msk [tilespmem:v26+s2+$0x0], $0xffff;
	[tilespmem:s29+$0x10100] =	vst v23  }
0x10d: {  	s31 =	sor.u32 $0x470, s23;
	v23 =	vadd.s32 v14, v20;
	v27 =	vld.idx.msk [tilespmem:v27+s2+$0x0], $0xffff;
	[tilespmem:s30+$0x10100] =	vst v28  }
0x10e: {  	s1 =	sor.u32 $0x450, s22;
	[tilespmem:s31+$0x10100] =	vst v18;
	v18 =	vadd.s32 v14, v21;
	v28 =	vld.idx.msk [tilespmem:v29+s2+$0x0], $0xffff  }
0x10f: {  	s3 =	sor.u32 $0x450, s28;
	v29 =	vld.idx.msk [tilespmem:v31+s2+$0x0], $0xffff;
	[tilespmem:s1+$0x10100] =	vst v25;
	v25 =	vadd.s32 v14, v19  }
0x110: {  	s4 =	sor.u32 $0x450, s25;
	v17 =	vadd.s32 v15, v17;
	v30 =	vld.idx.msk [tilespmem:v30+s2+$0x0], $0xffff;
	[tilespmem:s3+$0x10100] =	vst v32  }
0x111: {  	s5 =	sor.u32 $0x450, s24;
	v16 =	vadd.s32 v15, v16;
	[tilespmem:s4+$0x10100] =	vst v26;
	v24 =	vld.idx.msk [tilespmem:v24+s2+$0x0], $0xffff  }
0x112: {  	s6 =	sor.u32 $0x450, s26;
	v22 =	vadd.s32 v15, v22;
	v23 =	vld.idx.msk [tilespmem:v23+s2+$0x0], $0xffff;
	[tilespmem:s5+$0x10100] =	vst v27  }
0x113: {  	s8 =	sor.u32 $0x460, s20;
	v20 =	vadd.s32 v15, v20;
	v18 =	vld.idx.msk [tilespmem:v18+s2+$0x0], $0xffff;
	[tilespmem:s6+$0x10100] =	vst v28  }
0x114: {  	s9 =	sor.u32 $0x460, s22;
	v21 =	vadd.s32 v15, v21;
	[tilespmem:s8+$0x10100] =	vst v29;
	v25 =	vld.idx.msk [tilespmem:v25+s2+$0x0], $0xffff  }
0x115: {  	s11 =	sor.u32 $0x460, s28;
	v19 =	vadd.s32 v15, v19;
	v17 =	vld.idx.msk [tilespmem:v17+s2+$0x0], $0xffff;
	[tilespmem:s9+$0x10100] =	vst v30  }
0x116: {  	s12 =	sor.u32 $0x460, s25;
	v16 =	vld.idx.msk [tilespmem:v16+s2+$0x0], $0xffff;
	[tilespmem:s11+$0x10100] =	vst v24  }
0x117: {  	s13 =	sor.u32 $0x460, s24;
	[tilespmem:s12+$0x10100] =	vst v23;
	v22 =	vld.idx.msk [tilespmem:v22+s2+$0x0], $0xffff  }
0x118: {  	s14 =	sor.u32 $0x460, s26;
	v20 =	vld.idx.msk [tilespmem:v20+s2+$0x0], $0xffff;
	[tilespmem:s13+$0x10100] =	vst v18  }
0x119: {  	s15 =	sor.u32 $0x470, s20;
	v18 =	vld.idx.msk [tilespmem:v21+s2+$0x0], $0xffff;
	[tilespmem:s14+$0x10100] =	vst v25  }
0x11a: {  	s16 =	sor.u32 $0x470, s22;
	[tilespmem:s15+$0x10100] =	vst v17;
	v17 =	vld.idx.msk [tilespmem:v19+s2+$0x0], $0xffff  }
0x11b: {  	s20 =	sor.u32 $0x470, s28;
	[tilespmem:s16+$0x10100] =	vst v16  }
0x11c: {  	s22 =	sor.u32 $0x470, s25;
	[tilespmem:s20+$0x10100] =	vst v22  }
0x11d: {  	s23 =	sor.u32 $0x470, s24;
	[tilespmem:s22+$0x10100] =	vst v20  }
0x11e: {  	s24 =	sor.u32 $0x470, s26;
	[tilespmem:s23+$0x10100] =	vst v18  }
0x11f: {  	s0 =	simm.s32 @!p0 $0x3;
	s25 =	sshll.u32 s21, $0x7;
	s1 =	sor.u32 $0x40, s19;
	[tilespmem:s24+$0x10100] =	vst v17  }
0x120: {  	s29 =	simm.s32 $0x10100;
	s28 =	sadd.s32 $0x18100, s1;
	s13 =	rddreg [dreg:$0x6]  }
0x121: {  	s14 =	simm.s32 $0x800;
	s16 =	simm.s32 $0x2000;
	v20 =	vmov s28;
	s26 =	sadd.s32 s25, s13  }
0x122: {  	[hbm4b:s26+s14] =	stream.strided.scatter [tilespmem:s29], [sflag:$0x2], $0x4000, s16, s14, $0x38;
	[tilespmem:$0x1A100] =	vst v63  }
0x123: {  	_ =	swait.ge @!p0 [sflag:s0], $0x4000  }
0x124: {  	s30 =	simm.s32 $0x0;
	[sflag:s0] =	ssyncset.done @!p0 $0x0  }
0x125: {  	s31 =	sand.u32 $0x30, s30;
	[sflag:s0] =	ssyncadd.s32 @!p0 $0xFFFFC000  }
0x126: {  	v19 =	vld.idx.msk [tilespmem:v20+s31+$0x0 ss:$0x1], $0xffff;
	_ =	sdelay $0x1  }
0x127: {  	s4 =	simm.s32 $0x2  }
0x128: {  	s0 =	sand.u32 $0xE, s4  }
0x129: {  	v16 =	vmov s0  }
0x12a: {  	v16 =	vperm.xlane v19, v16  }
0x12b: {  	s5 =	simm.s32 $0x1  }
0x12c: {  	s0 =	sand.u32 $0xD, s5;
	v21 =	vadd.s32 v0, v16  }
0x12d: {  	s6 =	simm.s32 $0x3;
	v17 =	vmov s0  }
0x12e: {  	v18 =	vmov s6;
	v17 =	vperm.xlane v19, v17  }
0x12f: {  	v18 =	vperm.xlane v19, v18  }
0x130: {  	v22 =	vadd.s32 v0, v17  }
0x131: {  	v23 =	vadd.s32 v0, v18;
	v21 =	vld.idx.msk [tilespmem:v21+s2+$0x0], $0xffff  }
0x132: {  	s19 =	simm.s32 $0x0;
	v24 =	vadd.s32 v1, v16  }
0x133: {  	s8 =	sand.u32 $0x3800, s19;
	s9 =	simm.s32 $0x100  }
0x134: {  	s11 =	sand.u32 $0x300, s9;
	s5 =	sor.u32 $0x10100, s8  }
0x135: {  	s8 =	sadd.s32 s11, s5;
	v22 =	vld.idx.msk [tilespmem:v22+s2+$0x0], $0xffff  }
0x136: {  	s12 =	sand.u32 $0xC, s30;
	v25 =	vadd.s32 v1, v17;
	v23 =	vld.idx.msk [tilespmem:v23+s2+$0x0], $0xffff;
	[tilespmem:s8+$0x4000] =	vst v21  }
0x137: {  	v26 =	vmov s12;
	s15 =	simm.s32 $0x80;
	v21 =	vadd.s32 v1, v18;
	v24 =	vld.idx.msk [tilespmem:v24+s2+$0x0], $0xffff  }
0x138: {  	s21 =	sand.u32 $0x280, s15;
	s20 =	simm.s32 $0x180;
	v19 =	vperm.xlane v19, v26;
	v27 =	vadd.s32 v2, v16  }
0x139: {  	s24 =	sand.u32 $0x380, s20;
	s22 =	sor.u32 s21, s5  }
0x13a: {  	s0 =	sadd.s32 s24, s5;
	[tilespmem:s22+$0x4000] =	vst v22;
	v22 =	vadd.s32 v0, v19  }
0x13b: {  	[tilespmem:s0+$0x4000] =	vst v23;
	v25 =	vld.idx.msk [tilespmem:v25+s2+$0x0], $0xffff  }
0x13c: {  	v23 =	vadd.s32 v2, v17;
	v21 =	vld.idx.msk [tilespmem:v21+s2+$0x0], $0xffff;
	[tilespmem:s8+$0x4010] =	vst v24  }
0x13d: {  	v26 =	vadd.s32 v2, v18;
	v24 =	vld.idx.msk [tilespmem:v27+s2+$0x0], $0xffff  }
0x13e: {  	v27 =	vadd.s32 v3, v16  }
0x13f: {  	v22 =	vld.idx.msk [tilespmem:v22+s2+$0x0], $0xffff  }
0x140: {  	[tilespmem:s22+$0x4010] =	vst v25;
	v25 =	vadd.s32 v1, v19  }
0x141: {  	s25 =	simm.s32 $0x0;
	v23 =	vld.idx.msk [tilespmem:v23+s2+$0x0], $0xffff;
	[tilespmem:s0+$0x4010] =	vst v21  }
0x142: {  	s3 =	sand.u32 $0x200, s25;
	v21 =	vadd.s32 v3, v17;
	[tilespmem:s8+$0x4020] =	vst v24;
	v24 =	vld.idx.msk [tilespmem:v26+s2+$0x0], $0xffff  }
0x143: {  	s4 =	sor.u32 s3, s5;
	v26 =	vld.idx.msk [tilespmem:v27+s2+$0x0], $0xffff;
	v27 =	vadd.s32 v3, v18  }
0x144: {  	v28 =	vadd.s32 v4, v16;
	[tilespmem:s4+$0x4000] =	vst v22  }
0x145: {  	v22 =	vld.idx.msk [tilespmem:v25+s2+$0x0], $0xffff  }
0x146: {  	[tilespmem:s22+$0x4020] =	vst v23;
	v23 =	vadd.s32 v2, v19  }
0x147: {  	v21 =	vld.idx.msk [tilespmem:v21+s2+$0x0], $0xffff;
	[tilespmem:s0+$0x4020] =	vst v24  }
0x148: {  	v24 =	vadd.s32 v4, v17;
	[tilespmem:s8+$0x4030] =	vst v26;
	v25 =	vld.idx.msk [tilespmem:v27+s2+$0x0], $0xffff  }
0x149: {  	v27 =	vadd.s32 v4, v18;
	v26 =	vld.idx.msk [tilespmem:v28+s2+$0x0], $0xffff  }
0x14a: {  	[tilespmem:s4+$0x4010] =	vst v22;
	v28 =	vadd.s32 v5, v16  }
0x14b: {  	v22 =	vld.idx.msk [tilespmem:v23+s2+$0x0], $0xffff  }
0x14c: {  	[tilespmem:s22+$0x4030] =	vst v21;
	v21 =	vadd.s32 v3, v19  }
0x14d: {  	v23 =	vld.idx.msk [tilespmem:v24+s2+$0x0], $0xffff;
	[tilespmem:s0+$0x4030] =	vst v25  }
0x14e: {  	v24 =	vadd.s32 v5, v17;
	[tilespmem:s8+$0x4040] =	vst v26;
	v25 =	vld.idx.msk [tilespmem:v27+s2+$0x0], $0xffff  }
0x14f: {  	v27 =	vadd.s32 v5, v18;
	v26 =	vld.idx.msk [tilespmem:v28+s2+$0x0], $0xffff  }
0x150: {  	[tilespmem:s4+$0x4020] =	vst v22;
	v28 =	vadd.s32 v6, v16  }
0x151: {  	v21 =	vld.idx.msk [tilespmem:v21+s2+$0x0], $0xffff  }
0x152: {  	v22 =	vadd.s32 v4, v19;
	[tilespmem:s22+$0x4040] =	vst v23  }
0x153: {  	v23 =	vld.idx.msk [tilespmem:v24+s2+$0x0], $0xffff;
	[tilespmem:s0+$0x4040] =	vst v25  }
0x154: {  	v24 =	vadd.s32 v6, v17;
	[tilespmem:s8+$0x4050] =	vst v26;
	v25 =	vld.idx.msk [tilespmem:v27+s2+$0x0], $0xffff  }
0x155: {  	v27 =	vadd.s32 v6, v18;
	v26 =	vld.idx.msk [tilespmem:v28+s2+$0x0], $0xffff  }
0x156: {  	[tilespmem:s4+$0x4030] =	vst v21;
	v28 =	vadd.s32 v7, v16  }
0x157: {  	v21 =	vld.idx.msk [tilespmem:v22+s2+$0x0], $0xffff  }
0x158: {  	v22 =	vadd.s32 v5, v19;
	[tilespmem:s22+$0x4050] =	vst v23  }
0x159: {  	v23 =	vld.idx.msk [tilespmem:v24+s2+$0x0], $0xffff;
	[tilespmem:s0+$0x4050] =	vst v25  }
0x15a: {  	s23 =	simm.s32 $0x4;
	v24 =	vadd.s32 v7, v17;
	[tilespmem:s8+$0x4060] =	vst v26;
	v25 =	vld.idx.msk [tilespmem:v27+s2+$0x0], $0xffff  }
0x15b: {  	s26 =	sand.u32 $0x30, s23;
	v27 =	vadd.s32 v7, v18;
	v26 =	vld.idx.msk [tilespmem:v28+s2+$0x0], $0xffff  }
0x15c: {  	v29 =	vadd.s32 v8, v16;
	[tilespmem:s4+$0x4040] =	vst v21;
	v28 =	vld.idx.msk [tilespmem:v20+s26+$0x0 ss:$0x1], $0xffff  }
0x15d: {  	v22 =	vld.idx.msk [tilespmem:v22+s2+$0x0], $0xffff  }
0x15e: {  	[tilespmem:s22+$0x4060] =	vst v23  }
0x15f: {  	s9 =	simm.s32 $0x6;
	s28 =	sand.u32 $0xC, s23;
	v30 =	vadd.s32 v6, v19;
	v24 =	vld.idx.msk [tilespmem:v24+s2+$0x0], $0xffff;
	[tilespmem:s0+$0x4060] =	vst v25  }
0x160: {  	s29 =	simm.s32 $0x5;
	s31 =	sand.u32 $0xE, s9;
	v21 =	vmov s28;
	v25 =	vadd.s32 v8, v17;
	[tilespmem:s8+$0x4070] =	vst v26;
	v26 =	vld.idx.msk [tilespmem:v27+s2+$0x0], $0xffff  }
0x161: {  	s30 =	sand.u32 $0xD, s29;
	v58 =	vmov s31;
	v31 =	vadd.s32 v8, v18;
	v23 =	vperm.xlane v28, v21;
	s8 =	sand.u32 $0x3, s19;
	v29 =	vld.idx.msk [tilespmem:v29+s2+$0x0], $0xffff  }
0x162: {  	v59 =	vadd.s32 v9, v16;
	v27 =	vmov s30;
	[tilespmem:s4+$0x4050] =	vst v22;
	v22 =	vperm.xlane v28, v58;
	s3 =	sshll.u32 s8, $0x8  }
0x163: {  	v21 =	vperm.xlane v28, v27;
	v27 =	vadd.s32 v0, v23;
	s3 =	sadd.s32 $0x0, s3  }
0x164: {  	s9 =	simm.s32 $0x7;
	v30 =	vld.idx.msk [tilespmem:v30+s2+$0x0], $0xffff;
	v61 =	vadd.s32 v0, v22;
	[tilespmem:s22+$0x4070] =	vst v24;
	s3 =	sadd.s32 $0x100, s3  }
0x165: {  	v60 =	vadd.s32 v0, v21;
	v24 =	vmov s9;
	v25 =	vld.idx.msk [tilespmem:v25+s2+$0x0], $0xffff;
	s20 =	sor.u32 $0x4400, s3;
	[tilespmem:s0+$0x4070] =	vst v26  }
0x166: {  	s11 =	sand.u32 $0x7, s19;
	v24 =	vperm.xlane v28, v24;
	v26 =	vadd.s32 v7, v19;
	[tilespmem:s20+$0x10100] =	vst v29;
	v28 =	vld.idx.msk [tilespmem:v31+s2+$0x0], $0xffff  }
0x167: {  	s0 =	sshll.u32 s11, $0x7;
	v29 =	vadd.s32 v9, v17;
	v31 =	vld.idx.msk [tilespmem:v59+s2+$0x0], $0xffff  }
0x168: {  	v62 =	vadd.s32 v0, v24;
	s12 =	sadd.s32 $0x0, s0;
	v27 =	vld.idx.msk [tilespmem:v27+s2+$0x0], $0xffff  }
0x169: {  	v63 =	vadd.s32 v10, v16;
	s0 =	sadd.s32 $0x80, s12;
	v34 =	vld.idx.msk [tilespmem:v61+s2+$0x0], $0xffff  }
0x16a: {  	s24 =	simm.s32 $0x400;
	[tilespmem:s4+$0x4060] =	vst v30;
	v30 =	vadd.s32 v1, v23;
	v32 =	vld.idx.msk [tilespmem:v60+s2+$0x0], $0xffff;
	s21 =	sor.u32 $0x4400, s0  }
0x16b: {  	s15 =	sand.u32 $0x3800, s24;
	v40 =	vadd.s32 v1, v22;
	s22 =	simm.s32 $0x200;
	[tilespmem:s21+$0x10100] =	vst v25;
	v26 =	vld.idx.msk [tilespmem:v26+s2+$0x0], $0xffff  }
0x16c: {  	s29 =	simm.s32 $0x300;
	s25 =	sor.u32 $0x10100, s15;
	s5 =	sand.u32 $0x200, s22;
	v25 =	vadd.s32 v1, v21;
	v29 =	vld.idx.msk [tilespmem:v29+s2+$0x0], $0xffff  }
0x16d: {  	v37 =	vadd.s32 v8, v19;
	s26 =	simm.s32 $0x280;
	s30 =	sand.u32 $0x300, s29;
	s0 =	sor.u32 s5, s25;
	v33 =	vld.idx.msk [tilespmem:v62+s2+$0x0], $0xffff;
	[tilespmem:s20+$0x10110] =	vst v31  }
0x16e: {  	s28 =	sand.u32 $0x280, s26;
	s15 =	sadd.s32 s30, s25;
	[tilespmem:s0+$0x4000] =	vst v27;
	v31 =	vadd.s32 v9, v18;
	v27 =	vld.idx.msk [tilespmem:v63+s2+$0x0], $0xffff  }
0x16f: {  	v41 =	vadd.s32 v10, v17;
	s8 =	sor.u32 s28, s25;
	[tilespmem:s15+$0x4000] =	vst v34;
	v30 =	vld.idx.msk [tilespmem:v30+s2+$0x0], $0xffff  }
0x170: {  	v42 =	vadd.s32 v11, v16;
	s3 =	sadd.s32 $0x180, s12;
	[tilespmem:s8+$0x4000] =	vst v32;
	v36 =	vld.idx.msk [tilespmem:v40+s2+$0x0], $0xffff  }
0x171: {  	v43 =	vadd.s32 v2, v23;
	s22 =	sor.u32 $0x4400, s3;
	v25 =	vld.idx.msk [tilespmem:v25+s2+$0x0], $0xffff;
	[tilespmem:s4+$0x4070] =	vst v26  }
0x172: {  	v44 =	vadd.s32 v2, v22;
	[tilespmem:s22+$0x10100] =	vst v28;
	v28 =	vld.idx.msk [tilespmem:v37+s2+$0x0], $0xffff  }
0x173: {  	p0 =	por $0x0, $0x0;
	s3 =	simm.s32 $0x1;
	v26 =	vadd.s32 v1, v24;
	[tilespmem:s21+$0x10110] =	vst v29;
	v29 =	vld.idx.msk [tilespmem:v31+s2+$0x0], $0xffff  }
0x174: {  	s6 =	simm.s32 $0x380;
	s3 =	simm.s32 @!p0 $0x0;
	v31 =	vadd.s32 v9, v19;
	v32 =	vld.idx.msk [tilespmem:v41+s2+$0x0], $0xffff;
	[tilespmem:s20+$0x10120] =	vst v27  }
0x175: {  	s31 =	sand.u32 $0x380, s6;
	s3 =	sshll.u32 s3, $0x9;
	[tilespmem:s0+$0x4010] =	vst v30;
	v27 =	vadd.s32 v2, v21;
	v30 =	vld.idx.msk [tilespmem:v42+s2+$0x0], $0xffff  }
0x176: {  	v57 =	vadd.s32 v11, v17;
	s25 =	sadd.s32 s31, s25;
	s3 =	sadd.s32 $0x0, s3;
	[tilespmem:s15+$0x4010] =	vst v36;
	v45 =	vld.idx.msk [tilespmem:v43+s2+$0x0], $0xffff  }
0x177: {  	v46 =	vadd.s32 v10, v18;
	s4 =	sor.u32 $0x4400, s3;
	[tilespmem:s25+$0x4000] =	vst v33;
	v37 =	vld.idx.msk [tilespmem:v44+s2+$0x0], $0xffff  }
0x178: {  	v47 =	vadd.s32 v12, v16;
	v26 =	vld.idx.msk [tilespmem:v26+s2+$0x0], $0xffff;
	[tilespmem:s4+$0x10100] =	vst v28  }
0x179: {  	v48 =	vadd.s32 v3, v23;
	[tilespmem:s8+$0x4010] =	vst v25;
	v28 =	vld.idx.msk [tilespmem:v31+s2+$0x0], $0xffff  }
0x17a: {  	v25 =	vadd.s32 v2, v24;
	[tilespmem:s21+$0x10120] =	vst v32;
	v27 =	vld.idx.msk [tilespmem:v27+s2+$0x0], $0xffff  }
0x17b: {  	v31 =	vadd.s32 v3, v22;
	[tilespmem:s22+$0x10110] =	vst v29;
	v61 =	vld.idx.msk [tilespmem:v57+s2+$0x0], $0xffff  }
0x17c: {  	v29 =	vadd.s32 v10, v19;
	[tilespmem:s20+$0x10130] =	vst v30;
	v30 =	vld.idx.msk [tilespmem:v46+s2+$0x0], $0xffff  }
0x17d: {  	v49 =	vadd.s32 v3, v21;
	[tilespmem:s0+$0x4020] =	vst v45;
	v50 =	vld.idx.msk [tilespmem:v47+s2+$0x0], $0xffff  }
0x17e: {  	v62 =	vadd.s32 v12, v17;
	v51 =	vld.idx.msk [tilespmem:v48+s2+$0x0], $0xffff;
	[tilespmem:s25+$0x4010] =	vst v26  }
0x17f: {  	[tilespmem:s15+$0x4020] =	vst v37;
	v26 =	vadd.s32 v11, v18;
	v52 =	vld.idx.msk [tilespmem:v25+s2+$0x0], $0xffff  }
0x180: {  	v25 =	vadd.s32 v13, v16;
	v31 =	vld.idx.msk [tilespmem:v31+s2+$0x0], $0xffff;
	[tilespmem:s4+$0x10110] =	vst v28  }
0x181: {  	v53 =	vadd.s32 v4, v23;
	[tilespmem:s8+$0x4020] =	vst v27;
	v28 =	vld.idx.msk [tilespmem:v29+s2+$0x0], $0xffff  }
0x182: {  	v27 =	vadd.s32 v3, v24;
	[tilespmem:s21+$0x10130] =	vst v61;
	v29 =	vld.idx.msk [tilespmem:v49+s2+$0x0], $0xffff  }
0x183: {  	v54 =	vadd.s32 v4, v22;
	[tilespmem:s22+$0x10120] =	vst v30;
	v40 =	vld.idx.msk [tilespmem:v62+s2+$0x0], $0xffff  }
0x184: {  	v30 =	vadd.s32 v11, v19;
	[tilespmem:s20+$0x10140] =	vst v50;
	v26 =	vld.idx.msk [tilespmem:v26+s2+$0x0], $0xffff  }
0x185: {  	v55 =	vadd.s32 v4, v21;
	[tilespmem:s0+$0x4030] =	vst v51;
	v25 =	vld.idx.msk [tilespmem:v25+s2+$0x0], $0xffff  }
0x186: {  	v56 =	vadd.s32 v12, v18;
	v35 =	vld.idx.msk [tilespmem:v53+s2+$0x0], $0xffff;
	[tilespmem:s25+$0x4020] =	vst v52  }
0x187: {  	[tilespmem:s15+$0x4030] =	vst v31;
	v31 =	vadd.s32 v5, v23;
	v27 =	vld.idx.msk [tilespmem:v27+s2+$0x0], $0xffff  }
0x188: {  	v33 =	vld.idx.msk [tilespmem:v54+s2+$0x0], $0xffff;
	[tilespmem:s4+$0x10120] =	vst v28;
	v28 =	vadd.s32 v4, v24  }
0x189: {  	v58 =	vadd.s32 v5, v22;
	[tilespmem:s8+$0x4030] =	vst v29;
	v29 =	vld.idx.msk [tilespmem:v30+s2+$0x0], $0xffff  }
0x18a: {  	v30 =	vld.idx.msk [tilespmem:v55+s2+$0x0], $0xffff;
	[tilespmem:s22+$0x10130] =	vst v26;
	v26 =	vadd.s32 v12, v19  }
0x18b: {  	v60 =	vadd.s32 v5, v21;
	v59 =	vld.idx.msk [tilespmem:v56+s2+$0x0], $0xffff;
	[tilespmem:s0+$0x4040] =	vst v35  }
0x18c: {  	v31 =	vld.idx.msk [tilespmem:v31+s2+$0x0], $0xffff;
	[tilespmem:s25+$0x4030] =	vst v27;
	v27 =	vadd.s32 v13, v18  }
0x18d: {  	v63 =	vadd.s32 v6, v23;
	[tilespmem:s15+$0x4040] =	vst v33;
	v28 =	vld.idx.msk [tilespmem:v28+s2+$0x0], $0xffff  }
0x18e: {  	v34 =	vld.idx.msk [tilespmem:v58+s2+$0x0], $0xffff;
	[tilespmem:s4+$0x10130] =	vst v29;
	v29 =	vadd.s32 v5, v24  }
0x18f: {  	v38 =	vadd.s32 v6, v22;
	[tilespmem:s8+$0x4040] =	vst v30;
	v26 =	vld.idx.msk [tilespmem:v26+s2+$0x0], $0xffff  }
0x190: {  	v39 =	vadd.s32 v13, v19;
	v30 =	vld.idx.msk [tilespmem:v60+s2+$0x0], $0xffff;
	[tilespmem:s22+$0x10140] =	vst v59  }
0x191: {  	[tilespmem:s0+$0x4050] =	vst v31;
	v31 =	vadd.s32 v6, v21;
	v27 =	vld.idx.msk [tilespmem:v27+s2+$0x0], $0xffff  }
0x192: {  	v41 =	vadd.s32 v14, v18;
	v32 =	vld.idx.msk [tilespmem:v63+s2+$0x0], $0xffff;
	[tilespmem:s25+$0x4040] =	vst v28  }
0x193: {  	[tilespmem:s15+$0x4050] =	vst v34;
	v35 =	vld.idx.msk [tilespmem:v29+s2+$0x0], $0xffff  }
0x194: {  	v28 =	vadd.s32 v13, v17;
	v33 =	vld.idx.msk [tilespmem:v38+s2+$0x0], $0xffff;
	[tilespmem:s4+$0x10140] =	vst v26  }
0x195: {  	v29 =	vadd.s32 v14, v16;
	[tilespmem:s8+$0x4050] =	vst v30;
	v30 =	vld.idx.msk [tilespmem:v39+s2+$0x0], $0xffff  }
0x196: {  	s26 =	simm.s32 $0x400;
	v36 =	vadd.s32 v7, v22;
	v37 =	vadd.s32 v6, v24;
	s12 =	rddreg [dreg:$0x4];
	v34 =	vld.idx.msk [tilespmem:v31+s2+$0x0], $0xffff;
	[tilespmem:s22+$0x10150] =	vst v27  }
0x197: {  	s9 =	simm.s32 $0x0;
	p0 =	por !p0, !p0;
	v26 =	vadd.s32 v14, v17;
	[tilespmem:s21+$0x10140] =	vst v40;
	s1 =	sadd.s32 s12, s1;
	v27 =	vadd.s32 v14, v19;
	v31 =	vld.idx.msk [tilespmem:v41+s2+$0x0], $0xffff  }
.LBB2_11:
0x198: {  	s19 =	sadd.s32 $0x4, s19  }
0x199: {  	v28 =	vld.idx.msk [tilespmem:v28+s2+$0x0], $0xffff;
	[tilespmem:s20+$0x10150] =	vst v25;
	s9 =	sadd.s32 $0x2, s9;
	s3 =	smov.u32 s23;
	s23 =	sadd.s32 $0x4, s23  }
0x19a: {  	v25 =	vadd.s32 v7, v21;
	s5 =	sand.u32 $0x30, s23;
	s11 =	sand.u32 $0xC, s23;
	p1 =	slt.u32 s23, $0x3C;
	[tilespmem:s25+$0x4050] =	vst v35;
	v29 =	vld.idx.msk [tilespmem:v29+s2+$0x0], $0xffff  }
0x19b: {  	[tilespmem:s15+$0x4060] =	vst v33;
	v33 =	vld.idx.msk [tilespmem:v37+s2+$0x0], $0xffff  }
0x19c: {  	v35 =	vld.idx.msk [tilespmem:v36+s2+$0x0], $0xffff;
	[tilespmem:s4+$0x10150] =	vst v30;
	v30 =	vadd.s32 v15, v18;
	v18 =	vmov v24  }
0x19d: {  	[tilespmem:s8+$0x4060] =	vst v34;
	v24 =	vadd.s32 v7, v18;
	v27 =	vld.idx.msk [tilespmem:v27+s2+$0x0], $0xffff  }
0x19e: {  	v36 =	vadd.s32 v8, v22;
	v34 =	vld.idx.msk [tilespmem:v20+s5+$0x0 ss:$0x1], $0xffff;
	s5 =	sadd.s32 $0x6, s3;
	[tilespmem:s22+$0x10160] =	vst v31  }
0x19f: {  	v31 =	vadd.s32 v15, v19;
	v19 =	vmov v23;
	s5 =	sand.u32 $0xE, s5;
	v25 =	vld.idx.msk [tilespmem:v25+s2+$0x0], $0xffff;
	[tilespmem:s21+$0x10150] =	vst v28;
	v28 =	vadd.s32 v15, v17  }
0x1a0: {  	v23 =	vmov s11;
	s11 =	sadd.s32 $0x5, s3;
	s3 =	sadd.s32 $0x7, s3;
	v17 =	vmovc v21;
	v37 =	vmov s5;
	v26 =	vld.idx.msk [tilespmem:v26+s2+$0x0], $0xffff;
	[tilespmem:s20+$0x10160] =	vst v29;
	v29 =	vadd.s32 v15, v16;
	v16 =	vmovc v22  }
0x1a1: {  	v38 =	vmov s3;
	s5 =	sand.u32 $0xD, s11;
	v39 =	vadd.s32 v8, v17;
	[tilespmem:s25+$0x4060] =	vst v33;
	v30 =	vld.idx.msk [tilespmem:v30+s2+$0x0], $0xffff  }
0x1a2: {  	v21 =	vmov s5;
	[tilespmem:s15+$0x4070] =	vst v35;
	v33 =	vld.idx.msk [tilespmem:v24+s2+$0x0], $0xffff  }
0x1a3: {  	v40 =	vadd.s32 v8, v18;
	v35 =	vld.idx.msk [tilespmem:v36+s2+$0x0], $0xffff;
	v36 =	vadd.s32 v9, v16;
	[tilespmem:s4+$0x10160] =	vst v27  }
0x1a4: {  	s3 =	sand.u32 $0x3, s9;
	v23 =	vperm.xlane v34, v23;
	v21 =	vperm.xlane v34, v21;
	[tilespmem:s0+$0x4060] =	vst v32;
	v27 =	vld.idx.msk [tilespmem:v31+s2+$0x0], $0xffff  }
0x1a5: {  	s3 =	sshll.u32 s3, $0x8;
	v22 =	vperm.xlane v34, v37;
	v24 =	vperm.xlane v34, v38;
	[tilespmem:s8+$0x4070] =	vst v25;
	v25 =	vld.idx.msk [tilespmem:v29+s2+$0x0], $0xffff  }
0x1a6: {  	s3 =	sadd.s32 s24, s3;
	v29 =	vadd.s32 v0, v23;
	v31 =	vld.idx.msk [tilespmem:v39+s2+$0x0], $0xffff;
	[tilespmem:s21+$0x10160] =	vst v26  }
0x1a7: {  	s5 =	sand.u32 $0x7, s19;
	s3 =	sadd.s32 $0x100, s3;
	v26 =	vadd.s32 v0, v21;
	v28 =	vld.idx.msk [tilespmem:v28+s2+$0x0], $0xffff;
	[tilespmem:s22+$0x10170] =	vst v30  }
0x1a8: {  	s5 =	sshll.u32 s5, $0x7;
	s3 =	sor.u32 $0x4400, s3;
	v30 =	vadd.s32 v0, v22;
	[tilespmem:s25+$0x4070] =	vst v33  }
0x1a9: {  	s24 =	sadd.s32 $0x400, s24;
	s5 =	sadd.s32 s26, s5;
	v32 =	vadd.s32 v0, v24;
	v33 =	vadd.s32 v7, v19;
	[tilespmem:s3+$0x10100] =	vst v35;
	v34 =	vld.idx.msk [tilespmem:v40+s2+$0x0], $0xffff  }
0x1aa: {  	s6 =	sadd.s32 $0x200, s6;
	s8 =	sadd.s32 $0x80, s5;
	s5 =	sadd.s32 $0x180, s5;
	v35 =	vadd.s32 v9, v17;
	v36 =	vld.idx.msk [tilespmem:v36+s2+$0x0], $0xffff;
	[tilespmem:s4+$0x10170] =	vst v27  }
0x1ab: {  	s4 =	sor.u32 $0x4400, s8;
	v27 =	vld.idx.msk [tilespmem:v29+s2+$0x0], $0xffff;
	[tilespmem:s20+$0x10170] =	vst v25;
	s20 =	smov.u32 s3  }
0x1ac: {  	v25 =	vld.idx.msk [tilespmem:v26+s2+$0x0], $0xffff;
	[tilespmem:s4+$0x10100] =	vst v31;
	v26 =	vadd.s32 v10, v16  }
0x1ad: {  	v29 =	vadd.s32 v1, v23;
	v30 =	vld.idx.msk [tilespmem:v30+s2+$0x0], $0xffff;
	[tilespmem:s21+$0x10170] =	vst v28;
	s21 =	smov.u32 s4  }
0x1ae: {  	s22 =	sor.u32 $0x4400, s5;
	s3 =	sand.u32 $0x3800, s24;
	s4 =	sadd.s32 $0xFFFFFE80, s6;
	v28 =	vadd.s32 v1, v21;
	v31 =	vld.idx.msk [tilespmem:v33+s2+$0x0], $0xffff  }
0x1af: {  	s5 =	sadd.s32 $0xFFFFFF00, s6;
	s3 =	sor.u32 $0x10100, s3;
	s4 =	sand.u32 $0x200, s4;
	v33 =	vadd.s32 v1, v22;
	v35 =	vld.idx.msk [tilespmem:v35+s2+$0x0], $0xffff;
	[tilespmem:s22+$0x10100] =	vst v34  }
0x1b0: {  	s11 =	sadd.s32 $0xFFFFFF80, s6;
	v37 =	vadd.s32 v8, v19;
	s5 =	sand.u32 $0x280, s5;
	s4 =	sor.u32 s4, s3;
	v34 =	vadd.s32 v1, v24;
	v32 =	vld.idx.msk [tilespmem:v32+s2+$0x0], $0xffff;
	[tilespmem:s20+$0x10110] =	vst v36  }
0x1b1: {  	s8 =	sor.u32 s5, s3;
	s5 =	sand.u32 $0x300, s11;
	[tilespmem:s4+$0x4000] =	vst v27;
	v26 =	vld.idx.msk [tilespmem:v26+s2+$0x0], $0xffff;
	v27 =	vadd.s32 v9, v18  }
0x1b2: {  	s15 =	sadd.s32 s5, s3;
	v29 =	vld.idx.msk [tilespmem:v29+s2+$0x0], $0xffff;
	[tilespmem:s8+$0x4000] =	vst v25;
	v25 =	vadd.s32 v10, v17  }
0x1b3: {  	v28 =	vld.idx.msk [tilespmem:v28+s2+$0x0], $0xffff;
	[tilespmem:s15+$0x4000] =	vst v30;
	v30 =	vadd.s32 v11, v16  }
0x1b4: {  	v36 =	vadd.s32 v2, v23;
	v33 =	vld.idx.msk [tilespmem:v33+s2+$0x0], $0xffff;
	[tilespmem:s0+$0x4070] =	vst v31;
	s0 =	smov.u32 s4  }
0x1b5: {  	v31 =	vld.idx.msk [tilespmem:v37+s2+$0x0], $0xffff  }
0x1b6: {  	s5 =	simm.s32 $0x1;
	v37 =	vadd.s32 v2, v22;
	[tilespmem:s21+$0x10110] =	vst v35;
	v27 =	vld.idx.msk [tilespmem:v27+s2+$0x0], $0xffff  }
0x1b7: {  	s5 =	simm.s32 @!p0 $0x0;
	s4 =	sand.u32 $0x380, s6;
	v35 =	vadd.s32 v9, v19;
	v38 =	vld.idx.msk [tilespmem:v25+s2+$0x0], $0xffff;
	[tilespmem:s20+$0x10120] =	vst v26  }
0x1b8: {  	s25 =	sadd.s32 s4, s3;
	s3 =	sshll.u32 s5, $0x9;
	v25 =	vadd.s32 v2, v21;
	[tilespmem:s0+$0x4010] =	vst v29;
	v26 =	vld.idx.msk [tilespmem:v30+s2+$0x0], $0xffff  }
0x1b9: {  	s3 =	sadd.s32 s3, s26;
	s26 =	smov.u32 s24;
	v30 =	vadd.s32 v10, v18;
	v29 =	vld.idx.msk [tilespmem:v36+s2+$0x0], $0xffff;
	[tilespmem:s25+$0x4000] =	vst v32  }
0x1ba: {  	s4 =	sor.u32 $0x4400, s3;
	[tilespmem:s15+$0x4010] =	vst v33;
	v32 =	vld.idx.msk [tilespmem:v34+s2+$0x0], $0xffff;
	v33 =	vadd.s32 v12, v16  }
0x1bb: {  	v34 =	vadd.s32 v3, v23;
	v36 =	vld.idx.msk [tilespmem:v37+s2+$0x0], $0xffff;
	[tilespmem:s4+$0x10100] =	vst v31  }
0x1bc: {  	[tilespmem:s8+$0x4010] =	vst v28;
	v28 =	vadd.s32 v2, v24;
	v31 =	vld.idx.msk [tilespmem:v35+s2+$0x0], $0xffff  }
0x1bd: {  	v35 =	vadd.s32 v3, v22;
	v25 =	vld.idx.msk [tilespmem:v25+s2+$0x0], $0xffff;
	[tilespmem:s22+$0x10110] =	vst v27  }
0x1be: {  	v27 =	vadd.s32 v10, v19;
	[tilespmem:s20+$0x10130] =	vst v26;
	v26 =	vld.idx.msk [tilespmem:v30+s2+$0x0], $0xffff  }
0x1bf: {  	[tilespmem:s0+$0x4020] =	vst v29;
	v29 =	vadd.s32 v3, v21;
	v30 =	vld.idx.msk [tilespmem:v33+s2+$0x0], $0xffff  }
0x1c0: {  	v33 =	vld.idx.msk [tilespmem:v34+s2+$0x0], $0xffff;
	[tilespmem:s25+$0x4010] =	vst v32;
	v32 =	vadd.s32 v11, v18  }
0x1c1: {  	v34 =	vadd.s32 v13, v16;
	[tilespmem:s15+$0x4020] =	vst v36;
	v28 =	vld.idx.msk [tilespmem:v28+s2+$0x0], $0xffff  }
0x1c2: {  	v36 =	vadd.s32 v4, v23;
	v35 =	vld.idx.msk [tilespmem:v35+s2+$0x0], $0xffff;
	[tilespmem:s4+$0x10110] =	vst v31  }
0x1c3: {  	v31 =	vadd.s32 v3, v24;
	[tilespmem:s8+$0x4020] =	vst v25;
	v27 =	vld.idx.msk [tilespmem:v27+s2+$0x0], $0xffff  }
0x1c4: {  	v37 =	vadd.s32 v4, v22;
	v29 =	vld.idx.msk [tilespmem:v29+s2+$0x0], $0xffff;
	[tilespmem:s22+$0x10120] =	vst v26  }
0x1c5: {  	v39 =	vadd.s32 v11, v17;
	v26 =	vadd.s32 v11, v19;
	[tilespmem:s20+$0x10140] =	vst v30;
	v30 =	vld.idx.msk [tilespmem:v32+s2+$0x0], $0xffff  }
0x1c6: {  	v32 =	vadd.s32 v4, v21;
	[tilespmem:s0+$0x4030] =	vst v33;
	v25 =	vld.idx.msk [tilespmem:v34+s2+$0x0], $0xffff  }
0x1c7: {  	v33 =	vld.idx.msk [tilespmem:v36+s2+$0x0], $0xffff;
	[tilespmem:s25+$0x4020] =	vst v28;
	v28 =	vadd.s32 v12, v18  }
0x1c8: {  	[tilespmem:s15+$0x4030] =	vst v35;
	v31 =	vld.idx.msk [tilespmem:v31+s2+$0x0], $0xffff  }
0x1c9: {  	v34 =	vadd.s32 v5, v23;
	v35 =	vld.idx.msk [tilespmem:v37+s2+$0x0], $0xffff;
	[tilespmem:s4+$0x10120] =	vst v27  }
0x1ca: {  	v27 =	vadd.s32 v4, v24;
	[tilespmem:s8+$0x4030] =	vst v29;
	v26 =	vld.idx.msk [tilespmem:v26+s2+$0x0], $0xffff  }
0x1cb: {  	v29 =	vld.idx.msk [tilespmem:v32+s2+$0x0], $0xffff;
	v32 =	vadd.s32 v5, v22;
	[tilespmem:s22+$0x10130] =	vst v30  }
0x1cc: {  	v36 =	vadd.s32 v12, v17;
	v30 =	vadd.s32 v12, v19;
	[tilespmem:s21+$0x10120] =	vst v38;
	v28 =	vld.idx.msk [tilespmem:v28+s2+$0x0], $0xffff  }
0x1cd: {  	[tilespmem:s0+$0x4040] =	vst v33;
	v33 =	vadd.s32 v5, v21;
	v37 =	vld.idx.msk [tilespmem:v39+s2+$0x0], $0xffff  }
0x1ce: {  	v34 =	vld.idx.msk [tilespmem:v34+s2+$0x0], $0xffff;
	[tilespmem:s25+$0x4030] =	vst v31;
	v31 =	vadd.s32 v13, v18  }
0x1cf: {  	[tilespmem:s15+$0x4040] =	vst v35;
	v27 =	vld.idx.msk [tilespmem:v27+s2+$0x0], $0xffff  }
0x1d0: {  	v35 =	vadd.s32 v6, v23;
	v38 =	vld.idx.msk [tilespmem:v32+s2+$0x0], $0xffff;
	[tilespmem:s4+$0x10130] =	vst v26  }
0x1d1: {  	v26 =	vadd.s32 v5, v24;
	[tilespmem:s8+$0x4040] =	vst v29;
	v29 =	vld.idx.msk [tilespmem:v30+s2+$0x0], $0xffff  }
0x1d2: {  	v30 =	vld.idx.msk [tilespmem:v33+s2+$0x0], $0xffff;
	v33 =	vadd.s32 v6, v22;
	[tilespmem:s22+$0x10140] =	vst v28  }
0x1d3: {  	v39 =	vadd.s32 v13, v19;
	v28 =	vadd.s32 v13, v17;
	[tilespmem:s21+$0x10130] =	vst v37;
	v31 =	vld.idx.msk [tilespmem:v31+s2+$0x0], $0xffff  }
0x1d4: {  	[tilespmem:s0+$0x4050] =	vst v34;
	v34 =	vadd.s32 v6, v21;
	v40 =	vld.idx.msk [tilespmem:v36+s2+$0x0], $0xffff  }
0x1d5: {  	v41 =	vadd.s32 v14, v18;
	v32 =	vld.idx.msk [tilespmem:v35+s2+$0x0], $0xffff;
	[tilespmem:s25+$0x4040] =	vst v27  }
.Ltmp4:
0x1d6: {  	[tilespmem:s15+$0x4050] =	vst v38;
	v35 =	vld.idx.msk [tilespmem:v26+s2+$0x0], $0xffff;
	(pc) =	sbr.rel @p1 .LBB2_11-.Ltmp4, $4  }
0x1d7: {  	v33 =	vld.idx.msk [tilespmem:v33+s2+$0x0], $0xffff;
	[tilespmem:s4+$0x10140] =	vst v29;
	v29 =	vadd.s32 v14, v16  }
0x1d8: {  	v37 =	vadd.s32 v6, v24;
	[tilespmem:s8+$0x4050] =	vst v30;
	v30 =	vld.idx.msk [tilespmem:v39+s2+$0x0], $0xffff  }
0x1d9: {  	v36 =	vadd.s32 v7, v22;
	v34 =	vld.idx.msk [tilespmem:v34+s2+$0x0], $0xffff;
	[tilespmem:s22+$0x10150] =	vst v31  }
0x1da: {  	p0 =	por !p0, !p0;
	v27 =	vadd.s32 v14, v19;
	v26 =	vadd.s32 v14, v17;
	[tilespmem:s21+$0x10140] =	vst v40;
	v31 =	vld.idx.msk [tilespmem:v41+s2+$0x0], $0xffff  }
0x1db: {  	_ =	sdelay $0x2  }
0x1dc: {  	[tilespmem:s25+$0x4050] =	vst v35;
	v46 =	vadd.s32 v7, v23  }
0x1dd: {  	v38 =	vadd.s32 v7, v21;
	v20 =	vld.idx.msk [tilespmem:v37+s2+$0x0], $0xffff  }
0x1de: {  	v45 =	vadd.s32 v7, v24  }
0x1df: {  	[tilespmem:s15+$0x4060] =	vst v33  }
0x1e0: {  	[tilespmem:s0+$0x4060] =	vst v32;
	v49 =	vld.idx.msk [tilespmem:v36+s2+$0x0], $0xffff  }
0x1e1: {  	v51 =	vadd.s32 v8, v22;
	[tilespmem:s8+$0x4060] =	vst v34;
	v48 =	vld.idx.msk [tilespmem:v46+s2+$0x0], $0xffff  }
0x1e2: {  	v50 =	vadd.s32 v8, v23;
	v52 =	vld.idx.msk [tilespmem:v38+s2+$0x0], $0xffff;
	[tilespmem:s25+$0x4060] =	vst v20  }
0x1e3: {  	v53 =	vadd.s32 v8, v21;
	v20 =	vld.idx.msk [tilespmem:v45+s2+$0x0], $0xffff  }
0x1e4: {  	v47 =	vadd.s32 v8, v24  }
0x1e5: {  	s3 =	sadd.s32 $0x4, s19;
	s23 =	sadd.s32 $0x2, s9;
	[tilespmem:s15+$0x4070] =	vst v49  }
0x1e6: {  	s5 =	simm.s32 $0x1;
	s3 =	sand.u32 $0x7, s3;
	v55 =	vld.idx.msk [tilespmem:v51+s2+$0x0], $0xffff;
	[tilespmem:s0+$0x4070] =	vst v48;
	s0 =	sand.u32 $0x3, s23  }
0x1e7: {  	v57 =	vadd.s32 v9, v22;
	s5 =	simm.s32 @!p0 $0x0;
	s3 =	sshll.u32 s3, $0x7;
	[tilespmem:s8+$0x4070] =	vst v52;
	v33 =	vld.idx.msk [tilespmem:v50+s2+$0x0], $0xffff;
	s0 =	sshll.u32 s0, $0x8  }
0x1e8: {  	v56 =	vadd.s32 v9, v23;
	s5 =	sshll.u32 s5, $0x9;
	s3 =	sadd.s32 s26, s3;
	v37 =	vld.idx.msk [tilespmem:v53+s2+$0x0], $0xffff;
	[tilespmem:s25+$0x4070] =	vst v20;
	s24 =	sadd.s32 s24, s0  }
0x1e9: {  	v58 =	vadd.s32 v9, v21;
	s5 =	sadd.s32 s5, s26;
	s6 =	sadd.s32 $0x180, s3;
	v20 =	vld.idx.msk [tilespmem:v47+s2+$0x0], $0xffff;
	s26 =	sadd.s32 $0x100, s24  }
0x1ea: {  	v54 =	vadd.s32 v9, v24;
	s25 =	sor.u32 $0x4400, s6;
	s6 =	sor.u32 $0x4400, s26  }
0x1eb: {  	s28 =	sor.u32 $0x4400, s5;
	s3 =	sadd.s32 $0x80, s3;
	[tilespmem:s6+$0x10100] =	vst v55  }
0x1ec: {  	s29 =	sor.u32 $0x4400, s3;
	[tilespmem:s28+$0x10100] =	vst v33;
	v34 =	vld.idx.msk [tilespmem:v57+s2+$0x0], $0xffff  }
0x1ed: {  	v61 =	vadd.s32 v10, v22;
	[tilespmem:s29+$0x10100] =	vst v37;
	v33 =	vld.idx.msk [tilespmem:v56+s2+$0x0], $0xffff  }
0x1ee: {  	v60 =	vadd.s32 v10, v23;
	v37 =	vld.idx.msk [tilespmem:v58+s2+$0x0], $0xffff;
	[tilespmem:s25+$0x10100] =	vst v20  }
0x1ef: {  	v62 =	vadd.s32 v10, v21;
	v20 =	vld.idx.msk [tilespmem:v54+s2+$0x0], $0xffff  }
0x1f0: {  	v59 =	vadd.s32 v10, v24  }
0x1f1: {  	[tilespmem:s6+$0x10110] =	vst v34  }
0x1f2: {  	[tilespmem:s28+$0x10110] =	vst v33;
	v34 =	vld.idx.msk [tilespmem:v61+s2+$0x0], $0xffff  }
0x1f3: {  	v41 =	vadd.s32 v11, v22;
	[tilespmem:s29+$0x10110] =	vst v37;
	v33 =	vld.idx.msk [tilespmem:v60+s2+$0x0], $0xffff  }
0x1f4: {  	v40 =	vadd.s32 v11, v23;
	v37 =	vld.idx.msk [tilespmem:v62+s2+$0x0], $0xffff;
	[tilespmem:s25+$0x10110] =	vst v20  }
0x1f5: {  	v42 =	vadd.s32 v11, v21;
	v20 =	vld.idx.msk [tilespmem:v59+s2+$0x0], $0xffff  }
0x1f6: {  	v63 =	vadd.s32 v11, v24;
	[tilespmem:s20+$0x10150] =	vst v25  }
0x1f7: {  	[tilespmem:s6+$0x10120] =	vst v34  }
0x1f8: {  	[tilespmem:s28+$0x10120] =	vst v33;
	v34 =	vld.idx.msk [tilespmem:v41+s2+$0x0], $0xffff  }
0x1f9: {  	v45 =	vadd.s32 v12, v22;
	[tilespmem:s29+$0x10120] =	vst v37;
	v33 =	vld.idx.msk [tilespmem:v40+s2+$0x0], $0xffff  }
0x1fa: {  	v44 =	vadd.s32 v12, v23;
	v25 =	vld.idx.msk [tilespmem:v42+s2+$0x0], $0xffff;
	[tilespmem:s25+$0x10120] =	vst v20  }
0x1fb: {  	[tilespmem:s4+$0x10150] =	vst v30;
	v46 =	vadd.s32 v12, v21;
	v20 =	vld.idx.msk [tilespmem:v63+s2+$0x0], $0xffff  }
0x1fc: {  	v43 =	vadd.s32 v12, v24;
	v28 =	vld.idx.msk [tilespmem:v28+s2+$0x0], $0xffff;
	[tilespmem:s22+$0x10160] =	vst v31  }
0x1fd: {  	v29 =	vld.idx.msk [tilespmem:v29+s2+$0x0], $0xffff;
	[tilespmem:s6+$0x10130] =	vst v34  }
0x1fe: {  	v18 =	vadd.s32 v15, v18;
	[tilespmem:s28+$0x10130] =	vst v33;
	v30 =	vld.idx.msk [tilespmem:v45+s2+$0x0], $0xffff  }
0x1ff: {  	v49 =	vadd.s32 v13, v22;
	[tilespmem:s29+$0x10130] =	vst v25;
	v33 =	vld.idx.msk [tilespmem:v44+s2+$0x0], $0xffff  }
0x200: {  	v48 =	vadd.s32 v13, v23;
	v50 =	vld.idx.msk [tilespmem:v46+s2+$0x0], $0xffff;
	[tilespmem:s25+$0x10130] =	vst v20  }
0x201: {  	[tilespmem:s21+$0x10150] =	vst v28;
	v51 =	vadd.s32 v13, v21;
	v20 =	vld.idx.msk [tilespmem:v43+s2+$0x0], $0xffff  }
0x202: {  	v27 =	vld.idx.msk [tilespmem:v27+s2+$0x0], $0xffff;
	[tilespmem:s20+$0x10160] =	vst v29;
	v47 =	vadd.s32 v13, v24  }
0x203: {  	v18 =	vld.idx.msk [tilespmem:v18+s2+$0x0], $0xffff;
	[tilespmem:s6+$0x10140] =	vst v30  }
0x204: {  	v16 =	vadd.s32 v15, v16;
	[tilespmem:s28+$0x10140] =	vst v33;
	v25 =	vld.idx.msk [tilespmem:v49+s2+$0x0], $0xffff  }
0x205: {  	v55 =	vadd.s32 v14, v22;
	[tilespmem:s29+$0x10140] =	vst v50;
	v53 =	vld.idx.msk [tilespmem:v48+s2+$0x0], $0xffff  }
0x206: {  	v54 =	vadd.s32 v14, v23;
	v28 =	vld.idx.msk [tilespmem:v51+s2+$0x0], $0xffff;
	[tilespmem:s25+$0x10140] =	vst v20  }
0x207: {  	[tilespmem:s4+$0x10160] =	vst v27;
	v56 =	vadd.s32 v14, v21;
	v20 =	vld.idx.msk [tilespmem:v47+s2+$0x0], $0xffff  }
0x208: {  	v26 =	vld.idx.msk [tilespmem:v26+s2+$0x0], $0xffff;
	v52 =	vadd.s32 v14, v24;
	[tilespmem:s22+$0x10170] =	vst v18  }
0x209: {  	v19 =	vadd.s32 v15, v19;
	v16 =	vld.idx.msk [tilespmem:v16+s2+$0x0], $0xffff;
	[tilespmem:s6+$0x10150] =	vst v25  }
0x20a: {  	v17 =	vadd.s32 v15, v17;
	[tilespmem:s28+$0x10150] =	vst v53;
	v27 =	vld.idx.msk [tilespmem:v55+s2+$0x0], $0xffff  }
0x20b: {  	v61 =	vadd.s32 v15, v22;
	[tilespmem:s29+$0x10150] =	vst v28;
	v58 =	vld.idx.msk [tilespmem:v54+s2+$0x0], $0xffff  }
0x20c: {  	v59 =	vadd.s32 v15, v23;
	v60 =	vld.idx.msk [tilespmem:v56+s2+$0x0], $0xffff;
	[tilespmem:s25+$0x10150] =	vst v20  }
0x20d: {  	[tilespmem:s21+$0x10160] =	vst v26;
	v62 =	vadd.s32 v15, v21;
	v20 =	vld.idx.msk [tilespmem:v52+s2+$0x0], $0xffff  }
0x20e: {  	v19 =	vld.idx.msk [tilespmem:v19+s2+$0x0], $0xffff;
	[tilespmem:s20+$0x10170] =	vst v16;
	v57 =	vadd.s32 v15, v24  }
0x20f: {  	v17 =	vld.idx.msk [tilespmem:v17+s2+$0x0], $0xffff;
	[tilespmem:s6+$0x10160] =	vst v27  }
0x210: {  	[tilespmem:s28+$0x10160] =	vst v58;
	v22 =	vld.idx.msk [tilespmem:v61+s2+$0x0], $0xffff  }
0x211: {  	[tilespmem:s29+$0x10160] =	vst v60;
	v63 =	vld.idx.msk [tilespmem:v59+s2+$0x0], $0xffff  }
0x212: {  	v16 =	vld.idx.msk [tilespmem:v62+s2+$0x0], $0xffff;
	[tilespmem:s25+$0x10160] =	vst v20  }
0x213: {  	s18 =	sadd.s32 $0x1, s18;
	[tilespmem:s4+$0x10170] =	vst v19;
	v20 =	vld.idx.msk [tilespmem:v57+s2+$0x0], $0xffff  }
0x214: {  	p0 =	sne.s32 s18, $0x40;
	[tilespmem:s21+$0x10170] =	vst v17  }
.Ltmp5:
0x215: {  	[tilespmem:s6+$0x10170] =	vst v22;
	(pc) =	sbr.rel @p0 .LBB2_8-.Ltmp5, $4  }
0x216: {  	[tilespmem:s28+$0x10170] =	vst v63  }
0x217: {  	s30 =	sshll.u32 s1, $0x7;
	[tilespmem:s29+$0x10170] =	vst v16  }
0x218: {  	s31 =	simm.s32 $0x14100;
	s0 =	sadd.s32 s30, s13;
	[tilespmem:s25+$0x10170] =	vst v20  }
0x219: {  	[hbm4b:s0+s14] =	stream.strided.scatter [tilespmem:s31], [sflag:$0x3], $0x4000, s16, s14, $0x38;
	[tilespmem:$0x1A100] =	vst v63  }
0x21a: {  	s3 =	simm.s32 $0x2  }
0x21b: {  	_ =	swait.ge [sflag:s3], $0x4000  }
0x21c: {  	[sflag:s3] =	ssyncset.done $0x0  }
0x21d: {  	s1 =	simm.s32 $0x3;
	[sflag:s3] =	ssyncadd.s32 $0xFFFFC000  }
0x21e: {  	_ =	swait.ge [sflag:s1], $0x4000  }
0x21f: {  	s4 =	rddreg [dreg:$0x8]  }
0x220: {  	s0 =	rddreg [dreg:$0x7];
	s4 =	sadd.s32 $0x1, s4  }
0x221: {  	p0 =	sne.s32 s4, s0  }
.Ltmp6:
0x222: {  	_ = 	snop;
	(pc) =	sbr.rel @p0 .LBB2_1-.Ltmp6, $3  }
0x223: {  	_ =	sdelay $0x1  }
0x224: {  	[sflag:s1] =	ssyncset.done $0x0  }
0x225: {  	[sflag:s1] =	ssyncadd.s32 $0xFFFFC000  }
0x226: {  	_ =	sfence.sel $0x180000  }
0x227: {  	[bflag:$0x0] =	sbarrier.arrive $0xFFFF  }
0x228: {  	_ =	strace $0x90000047  }
0x229: {  	s0 =	stileid.u32;
	[bflag:$0x2] =	sbarrier.arrive $0xFFFF  }
0x22a: {  	p0 =	sne.s32 s0, $0x0;
	s0 =	rddreg [dreg:$0x3]  }
0x22b: {  	s0 =	sadd.s32 @!p0 $0x100000, s0  }
0x22c: {  	[sflag:s0] =	ssyncadd.tile.s32 @!p0 $0x1;
	_ =	shalt  }
.Lfunc_end2:
_tile_overlayer_lowered:
.L_overlay_start_2:
0x22d: {  	(tag) =	ssettag $0x2  }
0x22e: {  	s0 =	rddreg [dreg:$0x0];
	s2 =	stileid.u32  }
0x22f: {  	s1 =	rddreg [dreg:$0x1];
	p0 =	sne.s32 s2, $0x0  }
0x230: {  	s3 =	rddreg [dreg:$0x2];
	[bflag:$0x3] =	sbarrier.arrive $0xFFFF;
	s2 =	simm.s32 @!p0 $0x1C04  }
0x231: {  	[timem:s3], [sflag:s2] =	dma.local @!p0 [hbm:s0], s1  }
0x232: {  	s0 =	simm.s32 @!p0 $0x4  }
0x233: {  	_ =	swait.ge @!p0 [sflag:s0], s1  }
0x234: {  	s1 =	ssub.s32 @!p0 $0x0, s1;
	[sflag:s0] =	ssyncset.done @!p0 $0x0  }
0x235: {  	[sflag:s0] =	ssyncadd.s32 @!p0 s1  }
0x236: {  	[bflag:$0x3] =	sbarrier.arrive $0xFFFF  }
0x237: {  	_ =	shalt  }

</sc_bundles>
